<compile_context>
chip_gen: v7x
topology: tpu7x:2x2x1
jax: 0.10.2.dev20260603
libtpu: 0.0.44.dev20260713+nightly
codegen_flags: <defaults>
</compile_context>

<pallas_src>
import functools

import jax
import jax.numpy as jnp
from jax import lax
from jax.experimental import pallas as pl
from jax.experimental.pallas import tpu as pltpu
from jax.experimental.pallas import tpu_sc as plsc

EPS = 1e-5
HID = 16



def _sc_gather_rows(h, src):
    n_nodes, d = h.shape
    n_edges = src.shape[0]
    info = plsc.get_sparse_core_info()
    nw = info.num_cores * info.num_subcores
    per_w = n_edges // nw
    ch = 2000
    n_ch = per_w // ch
    assert per_w % ch == 0 and n_edges % nw == 0

    mesh = plsc.VectorSubcoreMesh(core_axis_name="c", subcore_axis_name="s")

    @functools.partial(
        pl.kernel,
        out_type=jax.ShapeDtypeStruct((n_edges, d), jnp.float32),
        mesh=mesh,
        compiler_params=pltpu.CompilerParams(use_tc_tiling_on_sc=False),
        scratch_types=[
            pltpu.VMEM((ch,), jnp.int32),
            pltpu.VMEM((ch, d), jnp.float32),
            pltpu.SemaphoreType.DMA,
        ],
    )
    def k(h_hbm, src_hbm, out_hbm, idx_v, rows_v, sem):
        wid = lax.axis_index("s") * info.num_cores + lax.axis_index("c")
        base = wid * per_w

        def body(i, _):
            off = base + i * ch
            pltpu.sync_copy(src_hbm.at[pl.ds(off, ch)], idx_v)
            pltpu.async_copy(h_hbm.at[idx_v], rows_v, sem).wait()
            pltpu.sync_copy(rows_v, out_hbm.at[pl.ds(off, ch)])
            return 0

        lax.fori_loop(0, n_ch, body, 0)

    return k(h, src)


def _sc_scatter_add(m, dst, n_nodes):
    n_edges, d = m.shape
    info = plsc.get_sparse_core_info()
    nc, ns = info.num_cores, info.num_subcores
    nw = nc * ns
    per_w = n_edges // nw
    ch = 2000
    n_ch = per_w // ch
    rows_per_tile = n_nodes // ns
    assert n_nodes % ns == 0 and per_w % ch == 0

    zeros = jnp.zeros((n_nodes, d), jnp.float32)
    mesh = plsc.VectorSubcoreMesh(core_axis_name="c", subcore_axis_name="s")

    @functools.partial(
        pl.kernel,
        out_type=jax.ShapeDtypeStruct((nc, n_nodes, d), jnp.float32),
        mesh=mesh,
        compiler_params=pltpu.CompilerParams(use_tc_tiling_on_sc=False),
        scratch_types=[
            pltpu.VMEM((ch,), jnp.int32),
            pltpu.VMEM((ch, d), jnp.float32),
            pltpu.VMEM_SHARED((n_nodes, d), jnp.float32),
        ],
    )
    def k(m_hbm, dst_hbm, z_hbm, out_hbm, idx_v, rows_v, agg_sh):
        cid = lax.axis_index("c")
        sid = lax.axis_index("s")
        stripe = sid * rows_per_tile
        pltpu.sync_copy(z_hbm.at[pl.ds(stripe, rows_per_tile)],
                        agg_sh.at[pl.ds(stripe, rows_per_tile)])
        plsc.subcore_barrier()

        wid = sid * nc + cid
        base = wid * per_w

        def body(i, _):
            off = base + i * ch
            pltpu.sync_copy(dst_hbm.at[pl.ds(off, ch)], idx_v)
            pltpu.sync_copy(m_hbm.at[pl.ds(off, ch)], rows_v)
            pltpu.sync_copy(rows_v, agg_sh.at[idx_v], add=True)
            return 0

        lax.fori_loop(0, n_ch, body, 0)
        plsc.subcore_barrier()
        pltpu.sync_copy(agg_sh.at[pl.ds(stripe, rows_per_tile)],
                        out_hbm.at[cid, pl.ds(stripe, rows_per_tile)])

    return k(m, dst, zeros)



def _matmul_bias(x, w, b):
    n, _ = x.shape
    dout = w.shape[1]

    def body(x_ref, w_ref, b_ref, o_ref):
        o_ref[...] = (
            jnp.dot(x_ref[...], w_ref[...], preferred_element_type=jnp.float32)
            + b_ref[...]
        )

    return pl.pallas_call(
        body, out_shape=jax.ShapeDtypeStruct((n, dout), jnp.float32)
    )(x, w, b.reshape(1, dout))


def _edge_messages(edge_attr, hsrc, mlp_w, mlp_b):
    n_edges, ed = edge_attr.shape
    hh = HID * HID
    blk = 8000
    grid = (n_edges // blk,)

    ea_p = (edge_attr.T.reshape(ed, n_edges // 8, 8)
            .transpose(1, 0, 2).reshape(n_edges // 8, 8 * ed))
    hs_p = hsrc.reshape(n_edges // 8, 8 * HID)
    eye8 = jnp.eye(8, dtype=jnp.float32)
    w_big = jnp.kron(mlp_w.reshape(ed, 1, hh), jnp.eye(8, dtype=jnp.float32)[:, :, None]).reshape(8 * ed, 8 * hh)
    b_big = jnp.tile(mlp_b, 8).reshape(1, 8 * hh)
    r_small = (jnp.arange(hh)[None, :] // HID
               == jnp.arange(HID)[:, None]).astype(jnp.float32)
    s_small = (jnp.arange(hh)[:, None] % HID
               == jnp.arange(HID)[None, :]).astype(jnp.float32)
    r_big = jnp.kron(eye8, r_small).astype(jnp.bfloat16)
    s_big = jnp.kron(eye8, s_small).astype(jnp.bfloat16)

    rblk = blk // 8

    def body(ea_ref, hs_ref, w_ref, b_ref, rep_ref, red_ref, m_ref):
        we = jnp.maximum(
            jnp.dot(ea_ref[...], w_ref[...], preferred_element_type=jnp.float32)
            + b_ref[...],
            0.0,
        )
        we16 = we.astype(jnp.bfloat16)
        hs16 = hs_ref[...].astype(jnp.bfloat16)
        rep = jnp.dot(
            hs16, rep_ref[...], preferred_element_type=jnp.float32,
        )
        prod = we16.astype(jnp.float32) * rep
        p_hi = prod.astype(jnp.bfloat16)
        p_lo = (prod - p_hi.astype(jnp.float32)).astype(jnp.bfloat16)
        m_ref[...] = (
            jnp.dot(p_hi, red_ref[...], preferred_element_type=jnp.float32)
            + jnp.dot(p_lo, red_ref[...], preferred_element_type=jnp.float32)
        )

    m_p = pl.pallas_call(
        body,
        grid=grid,
        in_specs=[
            pl.BlockSpec((rblk, 8 * ed), lambda i: (i, 0)),
            pl.BlockSpec((rblk, 8 * HID), lambda i: (i, 0)),
            pl.BlockSpec((8 * ed, 8 * hh), lambda i: (0, 0)),
            pl.BlockSpec((1, 8 * hh), lambda i: (0, 0)),
            pl.BlockSpec((8 * HID, 8 * hh), lambda i: (0, 0)),
            pl.BlockSpec((8 * hh, 8 * HID), lambda i: (0, 0)),
        ],
        out_specs=pl.BlockSpec((rblk, 8 * HID), lambda i: (i, 0)),
        out_shape=jax.ShapeDtypeStruct((n_edges // 8, 8 * HID), jnp.float32),
    )(ea_p, hs_p, w_big, b_big, r_big, s_big)
    return m_p.reshape(n_edges, HID)


def _node_tail(part0, part1, h, lp, bp):
    n, d = h.shape
    trans = bp["final_W"].shape[1]

    def body(p0_ref, p1_ref, h_ref, rootw_ref, convb_ref, gnw_ref, gnb_ref,
             gnms_ref, tw_ref, tb_ref, fw_ref, fb_ref, gfw_ref, gfb_ref,
             gfms_ref, o_ref):
        h_ = h_ref[...]
        out = (
            p0_ref[...] + p1_ref[...]
            + jnp.dot(h_, rootw_ref[...], preferred_element_type=jnp.float32)
            + convb_ref[...]
        )
        mean = jnp.mean(out, axis=0, keepdims=True)
        cent = out - gnms_ref[...] * mean
        var = jnp.mean(cent * cent, axis=0, keepdims=True)
        gn = gnw_ref[...] * cent / jnp.sqrt(var + EPS) + gnb_ref[...]
        h_conv = jnp.maximum(gn, 0.0) + h_
        tw = tw_ref[...]
        h2 = jnp.maximum(
            jnp.dot(h_, tw[:d], preferred_element_type=jnp.float32)
            + jnp.dot(h_conv, tw[d:], preferred_element_type=jnp.float32)
            + tb_ref[...],
            0.0,
        )
        hf = (
            jnp.dot(h2, fw_ref[...], preferred_element_type=jnp.float32)
            + fb_ref[...]
        )
        mean2 = jnp.mean(hf, axis=0, keepdims=True)
        cent2 = hf - gfms_ref[...] * mean2
        var2 = jnp.mean(cent2 * cent2, axis=0, keepdims=True)
        o_ref[...] = jnp.maximum(
            gfw_ref[...] * cent2 / jnp.sqrt(var2 + EPS) + gfb_ref[...], 0.0
        )

    return pl.pallas_call(
        body, out_shape=jax.ShapeDtypeStruct((n, trans), jnp.float32)
    )(
        part0, part1, h,
        lp["root_W"], lp["conv_b"].reshape(1, d),
        lp["gn_w"].reshape(1, d), lp["gn_b"].reshape(1, d),
        lp["gn_ms"].reshape(1, d),
        lp["trans_W"], lp["trans_b"].reshape(1, d),
        bp["final_W"], bp["final_b"].reshape(1, trans),
        bp["gnf_w"].reshape(1, trans), bp["gnf_b"].reshape(1, trans),
        bp["gnf_ms"].reshape(1, trans),
    )


def _jk_combine(h1, h2, jk):
    n, _ = h1.shape
    out_d = jk["projs"][0]["W"].shape[1]

    def body(h1_ref, h2_ref, w1_ref, b1_ref, w2_ref, b2_ref, a1_ref, a2_ref,
             o_ref):
        z1 = (
            jnp.dot(h1_ref[...], w1_ref[...], preferred_element_type=jnp.float32)
            + b1_ref[...]
        )
        z2 = (
            jnp.dot(h2_ref[...], w2_ref[...], preferred_element_type=jnp.float32)
            + b2_ref[...]
        )
        s1 = jnp.dot(z1, a1_ref[...], preferred_element_type=jnp.float32)
        s2 = jnp.dot(z2, a2_ref[...], preferred_element_type=jnp.float32)
        mx = jnp.maximum(s1, s2)
        e1 = jnp.exp(s1 - mx)
        e2 = jnp.exp(s2 - mx)
        o_ref[...] = (e1 * z1 + e2 * z2) / (e1 + e2)

    return pl.pallas_call(
        body, out_shape=jax.ShapeDtypeStruct((n, out_d), jnp.float32)
    )(
        h1, h2,
        jk["projs"][0]["W"], jk["projs"][0]["b"].reshape(1, out_d),
        jk["projs"][1]["W"], jk["projs"][1]["b"].reshape(1, out_d),
        jk["attn"][0].reshape(out_d, 1), jk["attn"][1].reshape(out_d, 1),
    )



def kernel(x, edge_attr, params, edge_index):
    src = edge_index[0]
    dst = edge_index[1]
    n_nodes = x.shape[0]
    hs = []
    h_in = x
    for bp in params["blocks"]:
        h = _matmul_bias(h_in, bp["init_W"], bp["init_b"])
        for lp in bp["layers"]:
            hsrc = _sc_gather_rows(h, src)
            m = _edge_messages(edge_attr, hsrc, lp["mlp_W"], lp["mlp_b"])
            parts = _sc_scatter_add(m, dst, n_nodes)
            h = _node_tail(parts[0], parts[1], h, lp, bp)
        hs.append(h)
        h_in = h
    return _jk_combine(hs[0], hs[1], params["jk"])

# --- scband reference (transcript-rebuilt; emitter-appended) ---
"""Pipeline reference for scband-djmgnn-74285754352147 (READ-ONLY COPY).

The authoritative reference and input builder live on the scoring server;
editing this copy changes nothing except your own understanding.
"""

import jax, jax.numpy as jnp
import numpy as np

N_NODES = 10000
N_EDGES = 320000
D_IN = 128
HID = 16
EDGE_D = 16
TRANS = 64
OUT_D = 64
N_BLOCKS = 2
N_LAYERS = 1
EPS = 1e-5


def _lin(key, din, dout):
    k1, k2 = jax.random.split(key)
    s = 1.0 / np.sqrt(din)
    W = jax.random.uniform(k1, (din, dout), minval=-s, maxval=s, dtype=jnp.float32)
    b = jax.random.uniform(k2, (dout,), minval=-s, maxval=s, dtype=jnp.float32)
    return W, b


def _block_params(key, in_dim):
    keys = jax.random.split(key, 16)
    init_W, init_b = _lin(keys[0], in_dim, HID)
    layers = []
    for i in range(N_LAYERS):
        kk = jax.random.split(keys[1 + i], 8)
        mlp_W, mlp_b = _lin(kk[0], EDGE_D, HID * HID)
        root_W, _ = _lin(kk[1], HID, HID)
        trans_W, trans_b = _lin(kk[2], 2 * HID, HID)
        layers.append({
            'mlp_W': mlp_W, 'mlp_b': mlp_b,
            'root_W': root_W, 'conv_b': jnp.zeros((HID,), jnp.float32),
            'gn_w': jnp.ones((HID,), jnp.float32), 'gn_b': jnp.zeros((HID,), jnp.float32), 'gn_ms': jnp.ones((HID,), jnp.float32),
            'trans_W': trans_W, 'trans_b': trans_b,
        })
    final_W, final_b = _lin(keys[10], HID, TRANS)
    return {
        'init_W': init_W, 'init_b': init_b, 'layers': layers,
        'final_W': final_W, 'final_b': final_b,
        'gnf_w': jnp.ones((TRANS,), jnp.float32), 'gnf_b': jnp.zeros((TRANS,), jnp.float32), 'gnf_ms': jnp.ones((TRANS,), jnp.float32),
    }


def _jk_params(key):
    keys = jax.random.split(key, 2 * N_BLOCKS)
    projs = []
    attn = []
    for i in range(N_BLOCKS):
        W, b = _lin(keys[2 * i], TRANS, OUT_D)
        v = jax.random.normal(keys[2 * i + 1], (OUT_D,), dtype=jnp.float32)
        projs.append({'W': W, 'b': b})
        attn.append(v)
    return {'projs': projs, 'attn': attn}


def setup_inputs(seed: int = 0):
    key = jax.random.key(seed)
    ks = jax.random.split(key, 8)
    x = jax.random.normal(ks[0], (N_NODES, D_IN), dtype=jnp.float32)
    edge_index = jax.random.randint(ks[1], (2, N_EDGES), 0, N_NODES, dtype=jnp.int32)
    edge_attr = jax.random.uniform(ks[2], (N_EDGES, EDGE_D), dtype=jnp.float32)
    params = {
        'blocks': [_block_params(ks[3], D_IN), _block_params(ks[4], TRANS)],
        'jk': _jk_params(ks[5]),
    }
    return {'x': x, 'edge_attr': edge_attr, 'params': params, 'edge_index': edge_index}


def _graph_norm(h, w, b, ms):
    mean = jnp.mean(h, axis=0, keepdims=True)
    out = h - ms * mean
    var = jnp.mean(out * out, axis=0, keepdims=True)
    return w * out / jnp.sqrt(var + EPS) + b


def _conv(h, src, dst, edge_attr, p):
    # NNConv: per-edge weight matrix from edge MLP (Linear + ReLU)
    We = jax.nn.relu(edge_attr @ p['mlp_W'] + p['mlp_b']).reshape(-1, HID, HID)
    m = jnp.einsum('ei,eio->eo', h[src], We)
    agg = jax.ops.segment_sum(m, dst, num_segments=h.shape[0])
    out = agg + h @ p['root_W'] + p['conv_b']
    out = jax.nn.relu(_graph_norm(out, p['gn_w'], p['gn_b'], p['gn_ms']))
    return out + h  # residual (in_channels == out_channels)


def _block(x, src, dst, edge_attr, p):
    h = x @ p['init_W'] + p['init_b']
    for lp in p['layers']:
        h_conv = _conv(h, src, dst, edge_attr, lp)
        h = jax.nn.relu(jnp.concatenate([h, h_conv], axis=1) @ lp['trans_W'] + lp['trans_b'])
    hf = h @ p['final_W'] + p['final_b']
    return jax.nn.relu(_graph_norm(hf, p['gnf_w'], p['gnf_b'], p['gnf_ms']))


def _jk(hs, p):
    zs = [hs[i] @ p['projs'][i]['W'] + p['projs'][i]['b'] for i in range(len(hs))]
    scores = jnp.stack([zs[i] @ p['attn'][i] for i in range(len(zs))], axis=1)
    alpha = jax.nn.softmax(scores, axis=1)
    out = alpha[:, 0:1] * zs[0]
    for i in range(1, len(zs)):
        out = out + alpha[:, i:i + 1] * zs[i]
    return out


def reference(x, edge_attr, params, edge_index):
    src = edge_index[0]
    dst = edge_index[1]
    hs = []
    h = x
    for bp in params['blocks']:
        h = _block(h, src, dst, edge_attr, bp)
        hs.append(h)
    return _jk(hs, params['jk'])

if __name__ == "__main__":
    import jax
    _d = setup_inputs()
    print(jax.jit(kernel)(*tuple(_d.values())))

</pallas_src>

<mosaic_0001>
#map = affine_map<(d0, d1) -> (0, 0)>
#map1 = affine_map<(d0, d1) -> (0)>
module attributes {stable_mosaic.version = 14 : i64} {
  func.func @k(%arg0: i32, %arg1: i32, %arg2: memref<10000x16xf32, #tpu.memory_space<hbm>>, %arg3: memref<320000xi32, #tpu.memory_space<hbm>>, %arg4: memref<320000x16xf32, #tpu.memory_space<hbm>>, %arg5: memref<2000xi32, #tpu.memory_space<vmem>>, %arg6: memref<2000x16xf32, #tpu.memory_space<vmem>>, %arg7: memref<!tpu.dma_semaphore, #tpu.memory_space<semaphore_mem>>) attributes {dimension_semantics = [#tpu.dimension_semantics<core_parallel>, #tpu.dimension_semantics<subcore_parallel>], iteration_bounds = array<i64: 2, 16>, scalar_prefetch = 0 : i64, scratch_operands = 3 : i64, tpu.core_type = #tpu.core_type<sc_vector_subcore>, window_params = [{transform_indices = #map}, {transform_indices = #map1}, {transform_indices = #map}]} {
    %mul3A = arith.constant 2 : i32
    %mul3A_0 = arith.muli %arg1, %mul3A : i32
    %add3A = arith.addi %mul3A_0, %arg0 : i32
    %mul3A_1 = arith.constant 10000 : i32
    %mul3A_2 = arith.muli %add3A, %mul3A_1 : i32
    %scan3A = arith.constant 0 : i32
    %scan3A_3 = arith.constant 0 : i32
    %scan3A_4 = arith.constant 5 : i32
    %scan3A_5 = arith.addi %scan3A_3, %scan3A_4 : i32
    %scan3A_6 = arith.constant 1 : i32
    %scan3A_7 = scf.for %scan3A_9 = %scan3A_3 to %scan3A_5 step %scan3A_6 iter_args(%scan3A_10 = %scan3A) -> (i32)  : i32 {
      %mul3A_11 = arith.constant 2000 : i32
      %mul3A_12 = arith.muli %scan3A_9, %mul3A_11 : i32
      %add3A_13 = arith.addi %mul3A_2, %mul3A_12 : i32
      "tpu.region"() ({
        %run_scoped3A = tpu.sem_alloc : memref<!tpu.dma_semaphore, #tpu.memory_space<semaphore_mem>>
        %dma_start3A_19 = tpu.memref_slice %arg3[%add3A_13] : memref<320000xi32, #tpu.memory_space<hbm>> -> memref<2000xi32, #tpu.memory_space<hbm>>
        %dma_start3A_20 = tpu.memref_slice %arg3[%add3A_13] : memref<320000xi32, #tpu.memory_space<hbm>> -> memref<2000xi32, #tpu.memory_space<hbm>>
        tpu.enqueue_dma source(%dma_start3A_20 : memref<2000xi32, #tpu.memory_space<hbm>>) target(%arg5 : memref<2000xi32, #tpu.memory_space<vmem>>) target_semaphore(%run_scoped3A : memref<!tpu.dma_semaphore, #tpu.memory_space<semaphore_mem>>)
        %dma_wait3A_21 = tpu.memref_slice %arg3[%add3A_13] : memref<320000xi32, #tpu.memory_space<hbm>> -> memref<2000xi32, #tpu.memory_space<hbm>>
        %dma_wait3A_22 = tpu.memref_slice %arg3[%add3A_13] : memref<320000xi32, #tpu.memory_space<hbm>> -> memref<2000xi32, #tpu.memory_space<hbm>>
        tpu.wait_dma2 semaphore(%run_scoped3A : memref<!tpu.dma_semaphore, #tpu.memory_space<semaphore_mem>>) src(%dma_wait3A_22 : memref<2000xi32, #tpu.memory_space<hbm>>) dst(%arg5 : memref<2000xi32, #tpu.memory_space<vmem>>)
        tpu.yield
      }) : () -> ()
      %dma_start3A = arith.constant 0 : i32
      %dma_start3A_14 = arith.constant 0 : i32
      %dma_start3A_15 = tpu.memref_slice %arg2[%dma_start3A, %dma_start3A_14] : memref<10000x16xf32, #tpu.memory_space<hbm>> -> memref<10000x16xf32, #tpu.memory_space<hbm>>
      tpu.enqueue_indirect_dma source(%dma_start3A_15 : memref<10000x16xf32, #tpu.memory_space<hbm>>) target(%arg6 : memref<2000x16xf32, #tpu.memory_space<vmem>>) offsets(%arg5 : memref<2000xi32, #tpu.memory_space<vmem>>) semaphore(%arg7 : memref<!tpu.dma_semaphore, #tpu.memory_space<semaphore_mem>>)
      %dma_wait3A = arith.constant 0 : i32
      %dma_wait3A_16 = arith.constant 0 : i32
      %dma_wait3A_17 = tpu.memref_slice %arg2[%dma_wait3A, %dma_wait3A_16] : memref<10000x16xf32, #tpu.memory_space<hbm>> -> memref<10000x16xf32, #tpu.memory_space<hbm>>
      tpu.wait_indirect_dma semaphore(%arg7 : memref<!tpu.dma_semaphore, #tpu.memory_space<semaphore_mem>>) src(%dma_wait3A_17 : memref<10000x16xf32, #tpu.memory_space<hbm>>) dst(%arg6 : memref<2000x16xf32, #tpu.memory_space<vmem>>)
      "tpu.region"() ({
        %run_scoped3A = tpu.sem_alloc : memref<!tpu.dma_semaphore, #tpu.memory_space<semaphore_mem>>
        %dma_start3A_19 = arith.constant 0 : i32
        %dma_start3A_20 = tpu.memref_slice %arg4[%add3A_13, %dma_start3A_19] : memref<320000x16xf32, #tpu.memory_space<hbm>> -> memref<2000x16xf32, #tpu.memory_space<hbm>>
        %dma_start3A_21 = arith.constant 0 : i32
        %dma_start3A_22 = tpu.memref_slice %arg4[%add3A_13, %dma_start3A_21] : memref<320000x16xf32, #tpu.memory_space<hbm>> -> memref<2000x16xf32, #tpu.memory_space<hbm>>
        tpu.enqueue_dma source(%arg6 : memref<2000x16xf32, #tpu.memory_space<vmem>>) target(%dma_start3A_22 : memref<2000x16xf32, #tpu.memory_space<hbm>>) target_semaphore(%run_scoped3A : memref<!tpu.dma_semaphore, #tpu.memory_space<semaphore_mem>>)
        %dma_wait3A_23 = arith.constant 0 : i32
        %dma_wait3A_24 = tpu.memref_slice %arg4[%add3A_13, %dma_wait3A_23] : memref<320000x16xf32, #tpu.memory_space<hbm>> -> memref<2000x16xf32, #tpu.memory_space<hbm>>
        %dma_wait3A_25 = arith.constant 0 : i32
        %dma_wait3A_26 = tpu.memref_slice %arg4[%add3A_13, %dma_wait3A_25] : memref<320000x16xf32, #tpu.memory_space<hbm>> -> memref<2000x16xf32, #tpu.memory_space<hbm>>
        tpu.wait_dma2 semaphore(%run_scoped3A : memref<!tpu.dma_semaphore, #tpu.memory_space<semaphore_mem>>) src(%arg6 : memref<2000x16xf32, #tpu.memory_space<vmem>>) dst(%dma_wait3A_26 : memref<2000x16xf32, #tpu.memory_space<hbm>>)
        tpu.yield
      }) : () -> ()
      %scan3A_18 = arith.constant 0 : i32
      scf.yield %scan3A_18 : i32
    }
    %scan3A_8 = arith.constant 5 : i32
    return
  }
}

#map = affine_map<(d0, d1) -> (0, 0)>
#map1 = affine_map<(d0, d1) -> (0)>
#map2 = affine_map<(d0, d1) -> (0, 0, 0)>
module attributes {stable_mosaic.version = 14 : i64} {
  func.func @k(%arg0: i32, %arg1: i32, %arg2: memref<320000x16xf32, #tpu.memory_space<hbm>>, %arg3: memref<320000xi32, #tpu.memory_space<hbm>>, %arg4: memref<10000x16xf32, #tpu.memory_space<hbm>>, %arg5: memref<2x10000x16xf32, #tpu.memory_space<hbm>>, %arg6: memref<2000xi32, #tpu.memory_space<vmem>>, %arg7: memref<2000x16xf32, #tpu.memory_space<vmem>>, %arg8: memref<10000x16xf32, #tpu.memory_space<vmem_shared>>) attributes {dimension_semantics = [#tpu.dimension_semantics<core_parallel>, #tpu.dimension_semantics<subcore_parallel>], iteration_bounds = array<i64: 2, 16>, scalar_prefetch = 0 : i64, scratch_operands = 3 : i64, tpu.core_type = #tpu.core_type<sc_vector_subcore>, window_params = [{transform_indices = #map}, {transform_indices = #map1}, {transform_indices = #map}, {transform_indices = #map2}]} {
    %mul3A = arith.constant 625 : i32
    %mul3A_0 = arith.muli %arg1, %mul3A : i32
    "tpu.region"() ({
      %run_scoped3A = tpu.sem_alloc : memref<!tpu.dma_semaphore, #tpu.memory_space<semaphore_mem>>
      %dma_start3A = arith.constant 0 : i32
      %dma_start3A_12 = tpu.memref_slice %arg8[%mul3A_0, %dma_start3A] : memref<10000x16xf32, #tpu.memory_space<vmem_shared>> -> memref<625x16xf32, #tpu.memory_space<vmem_shared>>
      %dma_start3A_13 = arith.constant 0 : i32
      %dma_start3A_14 = tpu.memref_slice %arg4[%mul3A_0, %dma_start3A_13] : memref<10000x16xf32, #tpu.memory_space<hbm>> -> memref<625x16xf32, #tpu.memory_space<hbm>>
      tpu.enqueue_dma source(%dma_start3A_14 : memref<625x16xf32, #tpu.memory_space<hbm>>) target(%dma_start3A_12 : memref<625x16xf32, #tpu.memory_space<vmem_shared>>) target_semaphore(%run_scoped3A : memref<!tpu.dma_semaphore, #tpu.memory_space<semaphore_mem>>)
      %dma_wait3A = arith.constant 0 : i32
      %dma_wait3A_15 = tpu.memref_slice %arg8[%mul3A_0, %dma_wait3A] : memref<10000x16xf32, #tpu.memory_space<vmem_shared>> -> memref<625x16xf32, #tpu.memory_space<vmem_shared>>
      %dma_wait3A_16 = arith.constant 0 : i32
      %dma_wait3A_17 = tpu.memref_slice %arg4[%mul3A_0, %dma_wait3A_16] : memref<10000x16xf32, #tpu.memory_space<hbm>> -> memref<625x16xf32, #tpu.memory_space<hbm>>
      tpu.wait_dma2 semaphore(%run_scoped3A : memref<!tpu.dma_semaphore, #tpu.memory_space<semaphore_mem>>) src(%dma_wait3A_17 : memref<625x16xf32, #tpu.memory_space<hbm>>) dst(%dma_wait3A_15 : memref<625x16xf32, #tpu.memory_space<vmem_shared>>)
      tpu.yield
    }) : () -> ()
    %barrier3A = arith.constant 0 : index
    tpu.barrier barrier_id(%barrier3A)
    %mul3A_1 = arith.constant 2 : i32
    %mul3A_2 = arith.muli %arg1, %mul3A_1 : i32
    %add3A = arith.addi %mul3A_2, %arg0 : i32
    %mul3A_3 = arith.constant 10000 : i32
    %mul3A_4 = arith.muli %add3A, %mul3A_3 : i32
    %scan3A = arith.constant 0 : i32
    %scan3A_5 = arith.constant 0 : i32
    %scan3A_6 = arith.constant 5 : i32
    %scan3A_7 = arith.addi %scan3A_5, %scan3A_6 : i32
    %scan3A_8 = arith.constant 1 : i32
    %scan3A_9 = scf.for %scan3A_12 = %scan3A_5 to %scan3A_7 step %scan3A_8 iter_args(%scan3A_13 = %scan3A) -> (i32)  : i32 {
      %mul3A_14 = arith.constant 2000 : i32
      %mul3A_15 = arith.muli %scan3A_12, %mul3A_14 : i32
      %add3A_16 = arith.addi %mul3A_4, %mul3A_15 : i32
      "tpu.region"() ({
        %run_scoped3A = tpu.sem_alloc : memref<!tpu.dma_semaphore, #tpu.memory_space<semaphore_mem>>
        %dma_start3A = tpu.memref_slice %arg3[%add3A_16] : memref<320000xi32, #tpu.memory_space<hbm>> -> memref<2000xi32, #tpu.memory_space<hbm>>
        %dma_start3A_18 = tpu.memref_slice %arg3[%add3A_16] : memref<320000xi32, #tpu.memory_space<hbm>> -> memref<2000xi32, #tpu.memory_space<hbm>>
        tpu.enqueue_dma source(%dma_start3A_18 : memref<2000xi32, #tpu.memory_space<hbm>>) target(%arg6 : memref<2000xi32, #tpu.memory_space<vmem>>) target_semaphore(%run_scoped3A : memref<!tpu.dma_semaphore, #tpu.memory_space<semaphore_mem>>)
        %dma_wait3A = tpu.memref_slice %arg3[%add3A_16] : memref<320000xi32, #tpu.memory_space<hbm>> -> memref<2000xi32, #tpu.memory_space<hbm>>
        %dma_wait3A_19 = tpu.memref_slice %arg3[%add3A_16] : memref<320000xi32, #tpu.memory_space<hbm>> -> memref<2000xi32, #tpu.memory_space<hbm>>
        tpu.wait_dma2 semaphore(%run_scoped3A : memref<!tpu.dma_semaphore, #tpu.memory_space<semaphore_mem>>) src(%dma_wait3A_19 : memref<2000xi32, #tpu.memory_space<hbm>>) dst(%arg6 : memref<2000xi32, #tpu.memory_space<vmem>>)
        tpu.yield
      }) : () -> ()
      "tpu.region"() ({
        %run_scoped3A = tpu.sem_alloc : memref<!tpu.dma_semaphore, #tpu.memory_space<semaphore_mem>>
        %dma_start3A = arith.constant 0 : i32
        %dma_start3A_18 = tpu.memref_slice %arg2[%add3A_16, %dma_start3A] : memref<320000x16xf32, #tpu.memory_space<hbm>> -> memref<2000x16xf32, #tpu.memory_space<hbm>>
        %dma_start3A_19 = arith.constant 0 : i32
        %dma_start3A_20 = tpu.memref_slice %arg2[%add3A_16, %dma_start3A_19] : memref<320000x16xf32, #tpu.memory_space<hbm>> -> memref<2000x16xf32, #tpu.memory_space<hbm>>
        tpu.enqueue_dma source(%dma_start3A_20 : memref<2000x16xf32, #tpu.memory_space<hbm>>) target(%arg7 : memref<2000x16xf32, #tpu.memory_space<vmem>>) target_semaphore(%run_scoped3A : memref<!tpu.dma_semaphore, #tpu.memory_space<semaphore_mem>>)
        %dma_wait3A = arith.constant 0 : i32
        %dma_wait3A_21 = tpu.memref_slice %arg2[%add3A_16, %dma_wait3A] : memref<320000x16xf32, #tpu.memory_space<hbm>> -> memref<2000x16xf32, #tpu.memory_space<hbm>>
        %dma_wait3A_22 = arith.constant 0 : i32
        %dma_wait3A_23 = tpu.memref_slice %arg2[%add3A_16, %dma_wait3A_22] : memref<320000x16xf32, #tpu.memory_space<hbm>> -> memref<2000x16xf32, #tpu.memory_space<hbm>>
        tpu.wait_dma2 semaphore(%run_scoped3A : memref<!tpu.dma_semaphore, #tpu.memory_space<semaphore_mem>>) src(%dma_wait3A_23 : memref<2000x16xf32, #tpu.memory_space<hbm>>) dst(%arg7 : memref<2000x16xf32, #tpu.memory_space<vmem>>)
        tpu.yield
      }) : () -> ()
      "tpu.region"() ({
        %run_scoped3A = tpu.sem_alloc : memref<!tpu.dma_semaphore, #tpu.memory_space<semaphore_mem>>
        %dma_start3A = arith.constant 0 : i32
        %dma_start3A_18 = arith.constant 0 : i32
        %dma_start3A_19 = tpu.memref_slice %arg8[%dma_start3A, %dma_start3A_18] : memref<10000x16xf32, #tpu.memory_space<vmem_shared>> -> memref<10000x16xf32, #tpu.memory_space<vmem_shared>>
        tpu.enqueue_indirect_dma source(%arg7 : memref<2000x16xf32, #tpu.memory_space<vmem>>) target(%dma_start3A_19 : memref<10000x16xf32, #tpu.memory_space<vmem_shared>>) offsets(%arg6 : memref<2000xi32, #tpu.memory_space<vmem>>) semaphore(%run_scoped3A : memref<!tpu.dma_semaphore, #tpu.memory_space<semaphore_mem>>) {add = true}
        %dma_wait3A = arith.constant 0 : i32
        %dma_wait3A_20 = arith.constant 0 : i32
        %dma_wait3A_21 = tpu.memref_slice %arg8[%dma_wait3A, %dma_wait3A_20] : memref<10000x16xf32, #tpu.memory_space<vmem_shared>> -> memref<10000x16xf32, #tpu.memory_space<vmem_shared>>
        tpu.wait_indirect_dma semaphore(%run_scoped3A : memref<!tpu.dma_semaphore, #tpu.memory_space<semaphore_mem>>) src(%arg7 : memref<2000x16xf32, #tpu.memory_space<vmem>>) dst(%dma_wait3A_21 : memref<10000x16xf32, #tpu.memory_space<vmem_shared>>)
        tpu.yield
      }) : () -> ()
      %scan3A_17 = arith.constant 0 : i32
      scf.yield %scan3A_17 : i32
    }
    %scan3A_10 = arith.constant 5 : i32
    %barrier3A_11 = arith.constant 0 : index
    tpu.barrier barrier_id(%barrier3A_11)
    "tpu.region"() ({
      %run_scoped3A = tpu.sem_alloc : memref<!tpu.dma_semaphore, #tpu.memory_space<semaphore_mem>>
      %dma_start3A = arith.constant 0 : i32
      %dma_start3A_12 = tpu.memref_slice %arg5[%arg0, %mul3A_0, %dma_start3A] : memref<2x10000x16xf32, #tpu.memory_space<hbm>> -> memref<1x625x16xf32, #tpu.memory_space<hbm>>
      %dma_start3A_13 = tpu.memref_squeeze %dma_start3A_12 : memref<1x625x16xf32, #tpu.memory_space<hbm>> -> memref<625x16xf32, #tpu.memory_space<hbm>>
      %dma_start3A_14 = arith.constant 0 : i32
      %dma_start3A_15 = tpu.memref_slice %arg8[%mul3A_0, %dma_start3A_14] : memref<10000x16xf32, #tpu.memory_space<vmem_shared>> -> memref<625x16xf32, #tpu.memory_space<vmem_shared>>
      tpu.enqueue_dma source(%dma_start3A_15 : memref<625x16xf32, #tpu.memory_space<vmem_shared>>) target(%dma_start3A_13 : memref<625x16xf32, #tpu.memory_space<hbm>>) target_semaphore(%run_scoped3A : memref<!tpu.dma_semaphore, #tpu.memory_space<semaphore_mem>>)
      %dma_wait3A = arith.constant 0 : i32
      %dma_wait3A_16 = tpu.memref_slice %arg5[%arg0, %mul3A_0, %dma_wait3A] : memref<2x10000x16xf32, #tpu.memory_space<hbm>> -> memref<1x625x16xf32, #tpu.memory_space<hbm>>
      %dma_wait3A_17 = tpu.memref_squeeze %dma_wait3A_16 : memref<1x625x16xf32, #tpu.memory_space<hbm>> -> memref<625x16xf32, #tpu.memory_space<hbm>>
      %dma_wait3A_18 = arith.constant 0 : i32
      %dma_wait3A_19 = tpu.memref_slice %arg8[%mul3A_0, %dma_wait3A_18] : memref<10000x16xf32, #tpu.memory_space<vmem_shared>> -> memref<625x16xf32, #tpu.memory_space<vmem_shared>>
      tpu.wait_dma2 semaphore(%run_scoped3A : memref<!tpu.dma_semaphore, #tpu.memory_space<semaphore_mem>>) src(%dma_wait3A_19 : memref<625x16xf32, #tpu.memory_space<vmem_shared>>) dst(%dma_wait3A_17 : memref<625x16xf32, #tpu.memory_space<hbm>>)
      tpu.yield
    }) : () -> ()
    return
  }
}

#map = affine_map<(d0, d1) -> (0, 0)>
#map1 = affine_map<(d0, d1) -> (0)>
#map2 = affine_map<(d0, d1) -> (0, 0, 0)>
module attributes {stable_mosaic.version = 14 : i64} {
  func.func @k(%arg0: i32, %arg1: i32, %arg2: memref<320000x16xf32, #tpu.memory_space<hbm>>, %arg3: memref<320000xi32, #tpu.memory_space<hbm>>, %arg4: memref<10000x16xf32, #tpu.memory_space<hbm>>, %arg5: memref<2x10000x16xf32, #tpu.memory_space<hbm>>, %arg6: memref<2000xi32, #tpu.memory_space<vmem>>, %arg7: memref<2000x16xf32, #tpu.memory_space<vmem>>, %arg8: memref<10000x16xf32, #tpu.memory_space<vmem_shared>>) attributes {dimension_semantics = [#tpu.dimension_semantics<core_parallel>, #tpu.dimension_semantics<subcore_parallel>], iteration_bounds = array<i64: 2, 16>, scalar_prefetch = 0 : i64, scratch_operands = 3 : i64, tpu.core_type = #tpu.core_type<sc_vector_subcore>, window_params = [{transform_indices = #map}, {transform_indices = #map1}, {transform_indices = #map}, {transform_indices = #map2}]} {
    %mul3A = arith.constant 625 : i32
    %mul3A_0 = arith.muli %arg1, %mul3A : i32
    "tpu.region"() ({
      %run_scoped3A = tpu.sem_alloc : memref<!tpu.dma_semaphore, #tpu.memory_space<semaphore_mem>>
      %dma_start3A = arith.constant 0 : i32
      %dma_start3A_12 = tpu.memref_slice %arg8[%mul3A_0, %dma_start3A] : memref<10000x16xf32, #tpu.memory_space<vmem_shared>> -> memref<625x16xf32, #tpu.memory_space<vmem_shared>>
      %dma_start3A_13 = arith.constant 0 : i32
      %dma_start3A_14 = tpu.memref_slice %arg4[%mul3A_0, %dma_start3A_13] : memref<10000x16xf32, #tpu.memory_space<hbm>> -> memref<625x16xf32, #tpu.memory_space<hbm>>
      tpu.enqueue_dma source(%dma_start3A_14 : memref<625x16xf32, #tpu.memory_space<hbm>>) target(%dma_start3A_12 : memref<625x16xf32, #tpu.memory_space<vmem_shared>>) target_semaphore(%run_scoped3A : memref<!tpu.dma_semaphore, #tpu.memory_space<semaphore_mem>>)
      %dma_wait3A = arith.constant 0 : i32
      %dma_wait3A_15 = tpu.memref_slice %arg8[%mul3A_0, %dma_wait3A] : memref<10000x16xf32, #tpu.memory_space<vmem_shared>> -> memref<625x16xf32, #tpu.memory_space<vmem_shared>>
      %dma_wait3A_16 = arith.constant 0 : i32
      %dma_wait3A_17 = tpu.memref_slice %arg4[%mul3A_0, %dma_wait3A_16] : memref<10000x16xf32, #tpu.memory_space<hbm>> -> memref<625x16xf32, #tpu.memory_space<hbm>>
      tpu.wait_dma2 semaphore(%run_scoped3A : memref<!tpu.dma_semaphore, #tpu.memory_space<semaphore_mem>>) src(%dma_wait3A_17 : memref<625x16xf32, #tpu.memory_space<hbm>>) dst(%dma_wait3A_15 : memref<625x16xf32, #tpu.memory_space<vmem_shared>>)
      tpu.yield
    }) : () -> ()
    %barrier3A = arith.constant 0 : index
    tpu.barrier barrier_id(%barrier3A)
    %mul3A_1 = arith.constant 2 : i32
    %mul3A_2 = arith.muli %arg1, %mul3A_1 : i32
    %add3A = arith.addi %mul3A_2, %arg0 : i32
    %mul3A_3 = arith.constant 10000 : i32
    %mul3A_4 = arith.muli %add3A, %mul3A_3 : i32
    %scan3A = arith.constant 0 : i32
    %scan3A_5 = arith.constant 0 : i32
    %scan3A_6 = arith.constant 5 : i32
    %scan3A_7 = arith.addi %scan3A_5, %scan3A_6 : i32
    %scan3A_8 = arith.constant 1 : i32
    %scan3A_9 = scf.for %scan3A_12 = %scan3A_5 to %scan3A_7 step %scan3A_8 iter_args(%scan3A_13 = %scan3A) -> (i32)  : i32 {
      %mul3A_14 = arith.constant 2000 : i32
      %mul3A_15 = arith.muli %scan3A_12, %mul3A_14 : i32
      %add3A_16 = arith.addi %mul3A_4, %mul3A_15 : i32
      "tpu.region"() ({
        %run_scoped3A = tpu.sem_alloc : memref<!tpu.dma_semaphore, #tpu.memory_space<semaphore_mem>>
        %dma_start3A = tpu.memref_slice %arg3[%add3A_16] : memref<320000xi32, #tpu.memory_space<hbm>> -> memref<2000xi32, #tpu.memory_space<hbm>>
        %dma_start3A_18 = tpu.memref_slice %arg3[%add3A_16] : memref<320000xi32, #tpu.memory_space<hbm>> -> memref<2000xi32, #tpu.memory_space<hbm>>
        tpu.enqueue_dma source(%dma_start3A_18 : memref<2000xi32, #tpu.memory_space<hbm>>) target(%arg6 : memref<2000xi32, #tpu.memory_space<vmem>>) target_semaphore(%run_scoped3A : memref<!tpu.dma_semaphore, #tpu.memory_space<semaphore_mem>>)
        %dma_wait3A = tpu.memref_slice %arg3[%add3A_16] : memref<320000xi32, #tpu.memory_space<hbm>> -> memref<2000xi32, #tpu.memory_space<hbm>>
        %dma_wait3A_19 = tpu.memref_slice %arg3[%add3A_16] : memref<320000xi32, #tpu.memory_space<hbm>> -> memref<2000xi32, #tpu.memory_space<hbm>>
        tpu.wait_dma2 semaphore(%run_scoped3A : memref<!tpu.dma_semaphore, #tpu.memory_space<semaphore_mem>>) src(%dma_wait3A_19 : memref<2000xi32, #tpu.memory_space<hbm>>) dst(%arg6 : memref<2000xi32, #tpu.memory_space<vmem>>)
        tpu.yield
      }) : () -> ()
      "tpu.region"() ({
        %run_scoped3A = tpu.sem_alloc : memref<!tpu.dma_semaphore, #tpu.memory_space<semaphore_mem>>
        %dma_start3A = arith.constant 0 : i32
        %dma_start3A_18 = tpu.memref_slice %arg2[%add3A_16, %dma_start3A] : memref<320000x16xf32, #tpu.memory_space<hbm>> -> memref<2000x16xf32, #tpu.memory_space<hbm>>
        %dma_start3A_19 = arith.constant 0 : i32
        %dma_start3A_20 = tpu.memref_slice %arg2[%add3A_16, %dma_start3A_19] : memref<320000x16xf32, #tpu.memory_space<hbm>> -> memref<2000x16xf32, #tpu.memory_space<hbm>>
        tpu.enqueue_dma source(%dma_start3A_20 : memref<2000x16xf32, #tpu.memory_space<hbm>>) target(%arg7 : memref<2000x16xf32, #tpu.memory_space<vmem>>) target_semaphore(%run_scoped3A : memref<!tpu.dma_semaphore, #tpu.memory_space<semaphore_mem>>)
        %dma_wait3A = arith.constant 0 : i32
        %dma_wait3A_21 = tpu.memref_slice %arg2[%add3A_16, %dma_wait3A] : memref<320000x16xf32, #tpu.memory_space<hbm>> -> memref<2000x16xf32, #tpu.memory_space<hbm>>
        %dma_wait3A_22 = arith.constant 0 : i32
        %dma_wait3A_23 = tpu.memref_slice %arg2[%add3A_16, %dma_wait3A_22] : memref<320000x16xf32, #tpu.memory_space<hbm>> -> memref<2000x16xf32, #tpu.memory_space<hbm>>
        tpu.wait_dma2 semaphore(%run_scoped3A : memref<!tpu.dma_semaphore, #tpu.memory_space<semaphore_mem>>) src(%dma_wait3A_23 : memref<2000x16xf32, #tpu.memory_space<hbm>>) dst(%arg7 : memref<2000x16xf32, #tpu.memory_space<vmem>>)
        tpu.yield
      }) : () -> ()
      "tpu.region"() ({
        %run_scoped3A = tpu.sem_alloc : memref<!tpu.dma_semaphore, #tpu.memory_space<semaphore_mem>>
        %dma_start3A = arith.constant 0 : i32
        %dma_start3A_18 = arith.constant 0 : i32
        %dma_start3A_19 = tpu.memref_slice %arg8[%dma_start3A, %dma_start3A_18] : memref<10000x16xf32, #tpu.memory_space<vmem_shared>> -> memref<10000x16xf32, #tpu.memory_space<vmem_shared>>
        tpu.enqueue_indirect_dma source(%arg7 : memref<2000x16xf32, #tpu.memory_space<vmem>>) target(%dma_start3A_19 : memref<10000x16xf32, #tpu.memory_space<vmem_shared>>) offsets(%arg6 : memref<2000xi32, #tpu.memory_space<vmem>>) semaphore(%run_scoped3A : memref<!tpu.dma_semaphore, #tpu.memory_space<semaphore_mem>>) {add = true}
        %dma_wait3A = arith.constant 0 : i32
        %dma_wait3A_20 = arith.constant 0 : i32
        %dma_wait3A_21 = tpu.memref_slice %arg8[%dma_wait3A, %dma_wait3A_20] : memref<10000x16xf32, #tpu.memory_space<vmem_shared>> -> memref<10000x16xf32, #tpu.memory_space<vmem_shared>>
        tpu.wait_indirect_dma semaphore(%run_scoped3A : memref<!tpu.dma_semaphore, #tpu.memory_space<semaphore_mem>>) src(%arg7 : memref<2000x16xf32, #tpu.memory_space<vmem>>) dst(%dma_wait3A_21 : memref<10000x16xf32, #tpu.memory_space<vmem_shared>>)
        tpu.yield
      }) : () -> ()
      %scan3A_17 = arith.constant 0 : i32
      scf.yield %scan3A_17 : i32
    }
    %scan3A_10 = arith.constant 5 : i32
    %barrier3A_11 = arith.constant 0 : index
    tpu.barrier barrier_id(%barrier3A_11)
    "tpu.region"() ({
      %run_scoped3A = tpu.sem_alloc : memref<!tpu.dma_semaphore, #tpu.memory_space<semaphore_mem>>
      %dma_start3A = arith.constant 0 : i32
      %dma_start3A_12 = tpu.memref_slice %arg5[%arg0, %mul3A_0, %dma_start3A] : memref<2x10000x16xf32, #tpu.memory_space<hbm>> -> memref<1x625x16xf32, #tpu.memory_space<hbm>>
      %dma_start3A_13 = tpu.memref_squeeze %dma_start3A_12 : memref<1x625x16xf32, #tpu.memory_space<hbm>> -> memref<625x16xf32, #tpu.memory_space<hbm>>
      %dma_start3A_14 = arith.constant 0 : i32
      %dma_start3A_15 = tpu.memref_slice %arg8[%mul3A_0, %dma_start3A_14] : memref<10000x16xf32, #tpu.memory_space<vmem_shared>> -> memref<625x16xf32, #tpu.memory_space<vmem_shared>>
      tpu.enqueue_dma source(%dma_start3A_15 : memref<625x16xf32, #tpu.memory_space<vmem_shared>>) target(%dma_start3A_13 : memref<625x16xf32, #tpu.memory_space<hbm>>) target_semaphore(%run_scoped3A : memref<!tpu.dma_semaphore, #tpu.memory_space<semaphore_mem>>)
      %dma_wait3A = arith.constant 0 : i32
      %dma_wait3A_16 = tpu.memref_slice %arg5[%arg0, %mul3A_0, %dma_wait3A] : memref<2x10000x16xf32, #tpu.memory_space<hbm>> -> memref<1x625x16xf32, #tpu.memory_space<hbm>>
      %dma_wait3A_17 = tpu.memref_squeeze %dma_wait3A_16 : memref<1x625x16xf32, #tpu.memory_space<hbm>> -> memref<625x16xf32, #tpu.memory_space<hbm>>
      %dma_wait3A_18 = arith.constant 0 : i32
      %dma_wait3A_19 = tpu.memref_slice %arg8[%mul3A_0, %dma_wait3A_18] : memref<10000x16xf32, #tpu.memory_space<vmem_shared>> -> memref<625x16xf32, #tpu.memory_space<vmem_shared>>
      tpu.wait_dma2 semaphore(%run_scoped3A : memref<!tpu.dma_semaphore, #tpu.memory_space<semaphore_mem>>) src(%dma_wait3A_19 : memref<625x16xf32, #tpu.memory_space<vmem_shared>>) dst(%dma_wait3A_17 : memref<625x16xf32, #tpu.memory_space<hbm>>)
      tpu.yield
    }) : () -> ()
    return
  }
}

#map = affine_map<(d0, d1) -> (0, 0)>
#map1 = affine_map<(d0, d1) -> (0)>
module attributes {stable_mosaic.version = 14 : i64} {
  func.func @k(%arg0: i32, %arg1: i32, %arg2: memref<10000x16xf32, #tpu.memory_space<hbm>>, %arg3: memref<320000xi32, #tpu.memory_space<hbm>>, %arg4: memref<320000x16xf32, #tpu.memory_space<hbm>>, %arg5: memref<2000xi32, #tpu.memory_space<vmem>>, %arg6: memref<2000x16xf32, #tpu.memory_space<vmem>>, %arg7: memref<!tpu.dma_semaphore, #tpu.memory_space<semaphore_mem>>) attributes {dimension_semantics = [#tpu.dimension_semantics<core_parallel>, #tpu.dimension_semantics<subcore_parallel>], iteration_bounds = array<i64: 2, 16>, scalar_prefetch = 0 : i64, scratch_operands = 3 : i64, tpu.core_type = #tpu.core_type<sc_vector_subcore>, window_params = [{transform_indices = #map}, {transform_indices = #map1}, {transform_indices = #map}]} {
    %mul3A = arith.constant 2 : i32
    %mul3A_0 = arith.muli %arg1, %mul3A : i32
    %add3A = arith.addi %mul3A_0, %arg0 : i32
    %mul3A_1 = arith.constant 10000 : i32
    %mul3A_2 = arith.muli %add3A, %mul3A_1 : i32
    %scan3A = arith.constant 0 : i32
    %scan3A_3 = arith.constant 0 : i32
    %scan3A_4 = arith.constant 5 : i32
    %scan3A_5 = arith.addi %scan3A_3, %scan3A_4 : i32
    %scan3A_6 = arith.constant 1 : i32
    %scan3A_7 = scf.for %scan3A_9 = %scan3A_3 to %scan3A_5 step %scan3A_6 iter_args(%scan3A_10 = %scan3A) -> (i32)  : i32 {
      %mul3A_11 = arith.constant 2000 : i32
      %mul3A_12 = arith.muli %scan3A_9, %mul3A_11 : i32
      %add3A_13 = arith.addi %mul3A_2, %mul3A_12 : i32
      "tpu.region"() ({
        %run_scoped3A = tpu.sem_alloc : memref<!tpu.dma_semaphore, #tpu.memory_space<semaphore_mem>>
        %dma_start3A_19 = tpu.memref_slice %arg3[%add3A_13] : memref<320000xi32, #tpu.memory_space<hbm>> -> memref<2000xi32, #tpu.memory_space<hbm>>
        %dma_start3A_20 = tpu.memref_slice %arg3[%add3A_13] : memref<320000xi32, #tpu.memory_space<hbm>> -> memref<2000xi32, #tpu.memory_space<hbm>>
        tpu.enqueue_dma source(%dma_start3A_20 : memref<2000xi32, #tpu.memory_space<hbm>>) target(%arg5 : memref<2000xi32, #tpu.memory_space<vmem>>) target_semaphore(%run_scoped3A : memref<!tpu.dma_semaphore, #tpu.memory_space<semaphore_mem>>)
        %dma_wait3A_21 = tpu.memref_slice %arg3[%add3A_13] : memref<320000xi32, #tpu.memory_space<hbm>> -> memref<2000xi32, #tpu.memory_space<hbm>>
        %dma_wait3A_22 = tpu.memref_slice %arg3[%add3A_13] : memref<320000xi32, #tpu.memory_space<hbm>> -> memref<2000xi32, #tpu.memory_space<hbm>>
        tpu.wait_dma2 semaphore(%run_scoped3A : memref<!tpu.dma_semaphore, #tpu.memory_space<semaphore_mem>>) src(%dma_wait3A_22 : memref<2000xi32, #tpu.memory_space<hbm>>) dst(%arg5 : memref<2000xi32, #tpu.memory_space<vmem>>)
        tpu.yield
      }) : () -> ()
      %dma_start3A = arith.constant 0 : i32
      %dma_start3A_14 = arith.constant 0 : i32
      %dma_start3A_15 = tpu.memref_slice %arg2[%dma_start3A, %dma_start3A_14] : memref<10000x16xf32, #tpu.memory_space<hbm>> -> memref<10000x16xf32, #tpu.memory_space<hbm>>
      tpu.enqueue_indirect_dma source(%dma_start3A_15 : memref<10000x16xf32, #tpu.memory_space<hbm>>) target(%arg6 : memref<2000x16xf32, #tpu.memory_space<vmem>>) offsets(%arg5 : memref<2000xi32, #tpu.memory_space<vmem>>) semaphore(%arg7 : memref<!tpu.dma_semaphore, #tpu.memory_space<semaphore_mem>>)
      %dma_wait3A = arith.constant 0 : i32
      %dma_wait3A_16 = arith.constant 0 : i32
      %dma_wait3A_17 = tpu.memref_slice %arg2[%dma_wait3A, %dma_wait3A_16] : memref<10000x16xf32, #tpu.memory_space<hbm>> -> memref<10000x16xf32, #tpu.memory_space<hbm>>
      tpu.wait_indirect_dma semaphore(%arg7 : memref<!tpu.dma_semaphore, #tpu.memory_space<semaphore_mem>>) src(%dma_wait3A_17 : memref<10000x16xf32, #tpu.memory_space<hbm>>) dst(%arg6 : memref<2000x16xf32, #tpu.memory_space<vmem>>)
      "tpu.region"() ({
        %run_scoped3A = tpu.sem_alloc : memref<!tpu.dma_semaphore, #tpu.memory_space<semaphore_mem>>
        %dma_start3A_19 = arith.constant 0 : i32
        %dma_start3A_20 = tpu.memref_slice %arg4[%add3A_13, %dma_start3A_19] : memref<320000x16xf32, #tpu.memory_space<hbm>> -> memref<2000x16xf32, #tpu.memory_space<hbm>>
        %dma_start3A_21 = arith.constant 0 : i32
        %dma_start3A_22 = tpu.memref_slice %arg4[%add3A_13, %dma_start3A_21] : memref<320000x16xf32, #tpu.memory_space<hbm>> -> memref<2000x16xf32, #tpu.memory_space<hbm>>
        tpu.enqueue_dma source(%arg6 : memref<2000x16xf32, #tpu.memory_space<vmem>>) target(%dma_start3A_22 : memref<2000x16xf32, #tpu.memory_space<hbm>>) target_semaphore(%run_scoped3A : memref<!tpu.dma_semaphore, #tpu.memory_space<semaphore_mem>>)
        %dma_wait3A_23 = arith.constant 0 : i32
        %dma_wait3A_24 = tpu.memref_slice %arg4[%add3A_13, %dma_wait3A_23] : memref<320000x16xf32, #tpu.memory_space<hbm>> -> memref<2000x16xf32, #tpu.memory_space<hbm>>
        %dma_wait3A_25 = arith.constant 0 : i32
        %dma_wait3A_26 = tpu.memref_slice %arg4[%add3A_13, %dma_wait3A_25] : memref<320000x16xf32, #tpu.memory_space<hbm>> -> memref<2000x16xf32, #tpu.memory_space<hbm>>
        tpu.wait_dma2 semaphore(%run_scoped3A : memref<!tpu.dma_semaphore, #tpu.memory_space<semaphore_mem>>) src(%arg6 : memref<2000x16xf32, #tpu.memory_space<vmem>>) dst(%dma_wait3A_26 : memref<2000x16xf32, #tpu.memory_space<hbm>>)
        tpu.yield
      }) : () -> ()
      %scan3A_18 = arith.constant 0 : i32
      scf.yield %scan3A_18 : i32
    }
    %scan3A_8 = arith.constant 5 : i32
    return
  }
}

module attributes {stable_mosaic.version = 14 : i64} {
  func.func @body(%arg0: memref<10000x128xf32, #tpu.memory_space<vmem>>, %arg1: memref<128x16xf32, #tpu.memory_space<vmem>>, %arg2: memref<1x16xf32, #tpu.memory_space<vmem>>, %arg3: memref<10000x16xf32, #tpu.memory_space<vmem>>) attributes {dimension_semantics = [], scalar_prefetch = 0 : i64, scratch_operands = 0 : i64, tpu.core_type = #tpu.core_type<tc>} {
    %get3A = arith.constant 0 : index
    %get3A_0 = arith.constant 0 : index
    %get3A_1 = vector.load %arg0[%get3A, %get3A_0] : memref<10000x128xf32, #tpu.memory_space<vmem>>, vector<10000x128xf32>
    %get3A_2 = arith.constant 0 : index
    %get3A_3 = arith.constant 0 : index
    %get3A_4 = vector.load %arg1[%get3A_2, %get3A_3] : memref<128x16xf32, #tpu.memory_space<vmem>>, vector<128x16xf32>
    %dot_general3A = arith.constant dense<0.000000e+00> : vector<10000x16xf32>
    %dot_general3A_5 = tpu.matmul %get3A_1, %get3A_4, %dot_general3A {dimension_numbers = #tpu.dot_dimension_numbers<[1], [0], [0], [1], [0, 0, 1, 1], [], []>, transpose_lhs_hint = false} : vector<10000x128xf32>, vector<128x16xf32>, vector<10000x16xf32> -> vector<10000x16xf32>
    %get3A_6 = arith.constant 0 : index
    %get3A_7 = arith.constant 0 : index
    %get3A_8 = vector.load %arg2[%get3A_6, %get3A_7] : memref<1x16xf32, #tpu.memory_space<vmem>>, vector<1x16xf32>
    %add3A = vector.broadcast %get3A_8 : vector<1x16xf32> to vector<10000x16xf32>
    %add3A_9 = arith.addf %dot_general3A_5, %add3A : vector<10000x16xf32>
    %swap3A = arith.constant 0 : index
    %swap3A_10 = arith.constant 0 : index
    %swap3A_11 = vector.load %arg3[%swap3A, %swap3A_10] : memref<10000x16xf32, #tpu.memory_space<vmem>>, vector<10000x16xf32>
    tpu.vector_store %arg3[%swap3A, %swap3A_10], %add3A_9 {strides = array<i32>} : memref<10000x16xf32, #tpu.memory_space<vmem>>, vector<10000x16xf32>,
    return
  }
}

module attributes {stable_mosaic.version = 14 : i64} {
  func.func @body(%arg0: i32, %arg1: memref<1000x128xf32, #tpu.memory_space<vmem>>, %arg2: memref<1000x128xf32, #tpu.memory_space<vmem>>, %arg3: memref<128x2048xf32, #tpu.memory_space<vmem>>, %arg4: memref<1x2048xf32, #tpu.memory_space<vmem>>, %arg5: memref<128x2048xbf16, #tpu.memory_space<vmem>>, %arg6: memref<2048x128xbf16, #tpu.memory_space<vmem>>, %arg7: memref<1000x128xf32, #tpu.memory_space<vmem>>) attributes {dimension_semantics = [#tpu.dimension_semantics<arbitrary>], iteration_bounds = array<i64: 40>, scalar_prefetch = 0 : i64, scratch_operands = 0 : i64, tpu.core_type = #tpu.core_type<tc>, window_params = [{transform_indices = @transform_0, window_bounds = array<i64: 1000, 128>}, {transform_indices = @transform_1, window_bounds = array<i64: 1000, 128>}, {pipeline_mode = #tpu.pipeline_mode<synchronous>, transform_indices = @transform_2, window_bounds = array<i64: 128, 2048>}, {pipeline_mode = #tpu.pipeline_mode<synchronous>, transform_indices = @transform_3, window_bounds = array<i64: 1, 2048>}, {pipeline_mode = #tpu.pipeline_mode<synchronous>, transform_indices = @transform_4, window_bounds = array<i64: 128, 2048>}, {pipeline_mode = #tpu.pipeline_mode<synchronous>, transform_indices = @transform_5, window_bounds = array<i64: 2048, 128>}, {transform_indices = @transform_6, window_bounds = array<i64: 1000, 128>}]} {
    %get3A = arith.constant 0 : index
    %get3A_0 = arith.constant 0 : index
    %get3A_1 = vector.load %arg1[%get3A, %get3A_0] : memref<1000x128xf32, #tpu.memory_space<vmem>>, vector<1000x128xf32>
    %get3A_2 = arith.constant 0 : index
    %get3A_3 = arith.constant 0 : index
    %get3A_4 = vector.load %arg3[%get3A_2, %get3A_3] : memref<128x2048xf32, #tpu.memory_space<vmem>>, vector<128x2048xf32>
    %dot_general3A = arith.constant dense<0.000000e+00> : vector<1000x2048xf32>
    %dot_general3A_5 = tpu.matmul %get3A_1, %get3A_4, %dot_general3A {dimension_numbers = #tpu.dot_dimension_numbers<[1], [0], [0], [1], [0, 0, 1, 1], [], []>, transpose_lhs_hint = false} : vector<1000x128xf32>, vector<128x2048xf32>, vector<1000x2048xf32> -> vector<1000x2048xf32>
    %get3A_6 = arith.constant 0 : index
    %get3A_7 = arith.constant 0 : index
    %get3A_8 = vector.load %arg4[%get3A_6, %get3A_7] : memref<1x2048xf32, #tpu.memory_space<vmem>>, vector<1x2048xf32>
    %add3A = vector.broadcast %get3A_8 : vector<1x2048xf32> to vector<1000x2048xf32>
    %add3A_9 = arith.addf %dot_general3A_5, %add3A : vector<1000x2048xf32>
    %max3A = arith.constant 0.000000e+00 : f32
    %max3A_10 = vector.broadcast %max3A : f32 to vector<1000x2048xf32>
    %max3A_11 = arith.maximumf %add3A_9, %max3A_10 : vector<1000x2048xf32>
    %convert_element_type3A = arith.truncf %max3A_11 : vector<1000x2048xf32> to vector<1000x2048xbf16>
    %get3A_12 = arith.constant 0 : index
    %get3A_13 = arith.constant 0 : index
    %get3A_14 = vector.load %arg2[%get3A_12, %get3A_13] : memref<1000x128xf32, #tpu.memory_space<vmem>>, vector<1000x128xf32>
    %convert_element_type3A_15 = arith.truncf %get3A_14 : vector<1000x128xf32> to vector<1000x128xbf16>
    %get3A_16 = arith.constant 0 : index
    %get3A_17 = arith.constant 0 : index
    %get3A_18 = vector.load %arg5[%get3A_16, %get3A_17] : memref<128x2048xbf16, #tpu.memory_space<vmem>>, vector<128x2048xbf16>
    %dot_general3A_19 = arith.constant dense<0.000000e+00> : vector<1000x2048xf32>
    %dot_general3A_20 = tpu.matmul %convert_element_type3A_15, %get3A_18, %dot_general3A_19 {dimension_numbers = #tpu.dot_dimension_numbers<[1], [0], [0], [1], [0, 0, 1, 1], [], []>, transpose_lhs_hint = false} : vector<1000x128xbf16>, vector<128x2048xbf16>, vector<1000x2048xf32> -> vector<1000x2048xf32>
    %convert_element_type3A_21 = arith.extf %convert_element_type3A : vector<1000x2048xbf16> to vector<1000x2048xf32>
    %mul3A = arith.mulf %convert_element_type3A_21, %dot_general3A_20 : vector<1000x2048xf32>
    %convert_element_type3A_22 = arith.truncf %mul3A : vector<1000x2048xf32> to vector<1000x2048xbf16>
    %convert_element_type3A_23 = arith.extf %convert_element_type3A_22 : vector<1000x2048xbf16> to vector<1000x2048xf32>
    %sub3A = arith.subf %mul3A, %convert_element_type3A_23 : vector<1000x2048xf32>
    %convert_element_type3A_24 = arith.truncf %sub3A : vector<1000x2048xf32> to vector<1000x2048xbf16>
    %get3A_25 = arith.constant 0 : index
    %get3A_26 = arith.constant 0 : index
    %get3A_27 = vector.load %arg6[%get3A_25, %get3A_26] : memref<2048x128xbf16, #tpu.memory_space<vmem>>, vector<2048x128xbf16>
    %dot_general3A_28 = arith.constant dense<0.000000e+00> : vector<1000x128xf32>
    %dot_general3A_29 = tpu.matmul %convert_element_type3A_22, %get3A_27, %dot_general3A_28 {dimension_numbers = #tpu.dot_dimension_numbers<[1], [0], [0], [1], [0, 0, 1, 1], [], []>, transpose_lhs_hint = false} : vector<1000x2048xbf16>, vector<2048x128xbf16>, vector<1000x128xf32> -> vector<1000x128xf32>
    %get3A_30 = arith.constant 0 : index
    %get3A_31 = arith.constant 0 : index
    %get3A_32 = vector.load %arg6[%get3A_30, %get3A_31] : memref<2048x128xbf16, #tpu.memory_space<vmem>>, vector<2048x128xbf16>
    %dot_general3A_33 = arith.constant dense<0.000000e+00> : vector<1000x128xf32>
    %dot_general3A_34 = tpu.matmul %convert_element_type3A_24, %get3A_32, %dot_general3A_33 {dimension_numbers = #tpu.dot_dimension_numbers<[1], [0], [0], [1], [0, 0, 1, 1], [], []>, transpose_lhs_hint = false} : vector<1000x2048xbf16>, vector<2048x128xbf16>, vector<1000x128xf32> -> vector<1000x128xf32>
    %add3A_35 = arith.addf %dot_general3A_29, %dot_general3A_34 : vector<1000x128xf32>
    %swap3A = arith.constant 0 : index
    %swap3A_36 = arith.constant 0 : index
    %swap3A_37 = vector.load %arg7[%swap3A, %swap3A_36] : memref<1000x128xf32, #tpu.memory_space<vmem>>, vector<1000x128xf32>
    tpu.vector_store %arg7[%swap3A, %swap3A_36], %add3A_35 {strides = array<i32>} : memref<1000x128xf32, #tpu.memory_space<vmem>>, vector<1000x128xf32>,
    return
  }
  func.func @transform_0(%arg0: i32) -> (i32, i32) {
    %c0_i32 = arith.constant 0 : i32
    %c0_i32_0 = arith.constant 0 : i32
    return %arg0, %c0_i32 : i32, i32
  }
  func.func @transform_1(%arg0: i32) -> (i32, i32) {
    %c0_i32 = arith.constant 0 : i32
    %c0_i32_0 = arith.constant 0 : i32
    return %arg0, %c0_i32 : i32, i32
  }
  func.func @transform_2(%arg0: i32) -> (i32, i32) {
    %c0_i32 = arith.constant 0 : i32
    %c0_i32_0 = arith.constant 0 : i32
    %c0_i32_1 = arith.constant 0 : i32
    return %c0_i32, %c0_i32_0 : i32, i32
  }
  func.func @transform_3(%arg0: i32) -> (i32, i32) {
    %c0_i32 = arith.constant 0 : i32
    %c0_i32_0 = arith.constant 0 : i32
    %c0_i32_1 = arith.constant 0 : i32
    return %c0_i32, %c0_i32_0 : i32, i32
  }
  func.func @transform_4(%arg0: i32) -> (i32, i32) {
    %c0_i32 = arith.constant 0 : i32
    %c0_i32_0 = arith.constant 0 : i32
    %c0_i32_1 = arith.constant 0 : i32
    return %c0_i32, %c0_i32_0 : i32, i32
  }
  func.func @transform_5(%arg0: i32) -> (i32, i32) {
    %c0_i32 = arith.constant 0 : i32
    %c0_i32_0 = arith.constant 0 : i32
    %c0_i32_1 = arith.constant 0 : i32
    return %c0_i32, %c0_i32_0 : i32, i32
  }
  func.func @transform_6(%arg0: i32) -> (i32, i32) {
    %c0_i32 = arith.constant 0 : i32
    %c0_i32_0 = arith.constant 0 : i32
    return %arg0, %c0_i32 : i32, i32
  }
}

module attributes {stable_mosaic.version = 14 : i64} {
  func.func @body(%arg0: memref<10000x16xf32, #tpu.memory_space<vmem>>, %arg1: memref<10000x16xf32, #tpu.memory_space<vmem>>, %arg2: memref<10000x16xf32, #tpu.memory_space<vmem>>, %arg3: memref<16x16xf32, #tpu.memory_space<vmem>>, %arg4: memref<1x16xf32, #tpu.memory_space<vmem>>, %arg5: memref<1x16xf32, #tpu.memory_space<vmem>>, %arg6: memref<1x16xf32, #tpu.memory_space<vmem>>, %arg7: memref<1x16xf32, #tpu.memory_space<vmem>>, %arg8: memref<32x16xf32, #tpu.memory_space<vmem>>, %arg9: memref<1x16xf32, #tpu.memory_space<vmem>>, %arg10: memref<16x64xf32, #tpu.memory_space<vmem>>, %arg11: memref<1x64xf32, #tpu.memory_space<vmem>>, %arg12: memref<1x64xf32, #tpu.memory_space<vmem>>, %arg13: memref<1x64xf32, #tpu.memory_space<vmem>>, %arg14: memref<1x64xf32, #tpu.memory_space<vmem>>, %arg15: memref<10000x64xf32, #tpu.memory_space<vmem>>) attributes {dimension_semantics = [], scalar_prefetch = 0 : i64, scratch_operands = 0 : i64, tpu.core_type = #tpu.core_type<tc>} {
    %get3A = arith.constant 0 : index
    %get3A_0 = arith.constant 0 : index
    %get3A_1 = vector.load %arg2[%get3A, %get3A_0] : memref<10000x16xf32, #tpu.memory_space<vmem>>, vector<10000x16xf32>
    %get3A_2 = arith.constant 0 : index
    %get3A_3 = arith.constant 0 : index
    %get3A_4 = vector.load %arg0[%get3A_2, %get3A_3] : memref<10000x16xf32, #tpu.memory_space<vmem>>, vector<10000x16xf32>
    %get3A_5 = arith.constant 0 : index
    %get3A_6 = arith.constant 0 : index
    %get3A_7 = vector.load %arg1[%get3A_5, %get3A_6] : memref<10000x16xf32, #tpu.memory_space<vmem>>, vector<10000x16xf32>
    %add3A = arith.addf %get3A_4, %get3A_7 : vector<10000x16xf32>
    %get3A_8 = arith.constant 0 : index
    %get3A_9 = arith.constant 0 : index
    %get3A_10 = vector.load %arg3[%get3A_8, %get3A_9] : memref<16x16xf32, #tpu.memory_space<vmem>>, vector<16x16xf32>
    %dot_general3A = arith.constant dense<0.000000e+00> : vector<10000x16xf32>
    %dot_general3A_11 = tpu.matmul %get3A_1, %get3A_10, %dot_general3A {dimension_numbers = #tpu.dot_dimension_numbers<[1], [0], [0], [1], [0, 0, 1, 1], [], []>, transpose_lhs_hint = false} : vector<10000x16xf32>, vector<16x16xf32>, vector<10000x16xf32> -> vector<10000x16xf32>
    %add3A_12 = arith.addf %add3A, %dot_general3A_11 : vector<10000x16xf32>
    %get3A_13 = arith.constant 0 : index
    %get3A_14 = arith.constant 0 : index
    %get3A_15 = vector.load %arg4[%get3A_13, %get3A_14] : memref<1x16xf32, #tpu.memory_space<vmem>>, vector<1x16xf32>
    %add3A_16 = vector.broadcast %get3A_15 : vector<1x16xf32> to vector<10000x16xf32>
    %add3A_17 = arith.addf %add3A_12, %add3A_16 : vector<10000x16xf32>
    %reduce_sum3A = arith.constant dense<0.000000e+00> : vector<16xf32>
    %reduce_sum3A_18 = vector.multi_reduction <add>, %add3A_17, %reduce_sum3A [0] : vector<10000x16xf32> to vector<16xf32>
    %broadcast_in_dim3A = vector.shape_cast %reduce_sum3A_18 : vector<16xf32> to vector<1x16xf32>
    %div3A = arith.constant 1.000000e+04 : f32
    %div3A_19 = vector.broadcast %div3A : f32 to vector<1x16xf32>
    %div3A_20 = arith.divf %broadcast_in_dim3A, %div3A_19 : vector<1x16xf32>
    %get3A_21 = arith.constant 0 : index
    %get3A_22 = arith.constant 0 : index
    %get3A_23 = vector.load %arg7[%get3A_21, %get3A_22] : memref<1x16xf32, #tpu.memory_space<vmem>>, vector<1x16xf32>
    %mul3A = arith.mulf %get3A_23, %div3A_20 : vector<1x16xf32>
    %sub3A = vector.broadcast %mul3A : vector<1x16xf32> to vector<10000x16xf32>
    %sub3A_24 = arith.subf %add3A_17, %sub3A : vector<10000x16xf32>
    %mul3A_25 = arith.mulf %sub3A_24, %sub3A_24 : vector<10000x16xf32>
    %reduce_sum3A_26 = arith.constant dense<0.000000e+00> : vector<16xf32>
    %reduce_sum3A_27 = vector.multi_reduction <add>, %mul3A_25, %reduce_sum3A_26 [0] : vector<10000x16xf32> to vector<16xf32>
    %broadcast_in_dim3A_28 = vector.shape_cast %reduce_sum3A_27 : vector<16xf32> to vector<1x16xf32>
    %div3A_29 = arith.constant 1.000000e+04 : f32
    %div3A_30 = vector.broadcast %div3A_29 : f32 to vector<1x16xf32>
    %div3A_31 = arith.divf %broadcast_in_dim3A_28, %div3A_30 : vector<1x16xf32>
    %get3A_32 = arith.constant 0 : index
    %get3A_33 = arith.constant 0 : index
    %get3A_34 = vector.load %arg5[%get3A_32, %get3A_33] : memref<1x16xf32, #tpu.memory_space<vmem>>, vector<1x16xf32>
    %mul3A_35 = vector.broadcast %get3A_34 : vector<1x16xf32> to vector<10000x16xf32>
    %mul3A_36 = arith.mulf %mul3A_35, %sub3A_24 : vector<10000x16xf32>
    %add3A_37 = arith.constant 9.99999974E-6 : f32
    %add3A_38 = vector.broadcast %add3A_37 : f32 to vector<1x16xf32>
    %add3A_39 = arith.addf %div3A_31, %add3A_38 : vector<1x16xf32>
    %sqrt3A = math.sqrt %add3A_39 : vector<1x16xf32>
    %div3A_40 = vector.broadcast %sqrt3A : vector<1x16xf32> to vector<10000x16xf32>
    %div3A_41 = arith.divf %mul3A_36, %div3A_40 : vector<10000x16xf32>
    %get3A_42 = arith.constant 0 : index
    %get3A_43 = arith.constant 0 : index
    %get3A_44 = vector.load %arg6[%get3A_42, %get3A_43] : memref<1x16xf32, #tpu.memory_space<vmem>>, vector<1x16xf32>
    %add3A_45 = vector.broadcast %get3A_44 : vector<1x16xf32> to vector<10000x16xf32>
    %add3A_46 = arith.addf %div3A_41, %add3A_45 : vector<10000x16xf32>
    %max3A = arith.constant 0.000000e+00 : f32
    %max3A_47 = vector.broadcast %max3A : f32 to vector<10000x16xf32>
    %max3A_48 = arith.maximumf %add3A_46, %max3A_47 : vector<10000x16xf32>
    %add3A_49 = arith.addf %max3A_48, %get3A_1 : vector<10000x16xf32>
    %get3A_50 = arith.constant 0 : index
    %get3A_51 = arith.constant 0 : index
    %get3A_52 = vector.load %arg8[%get3A_50, %get3A_51] : memref<32x16xf32, #tpu.memory_space<vmem>>, vector<32x16xf32>
    %slice3A = vector.extract_strided_slice %get3A_52 {offsets = [0, 0], sizes = [16, 16], strides = [1, 1]} : vector<32x16xf32> to vector<16x16xf32>
    %dot_general3A_53 = arith.constant dense<0.000000e+00> : vector<10000x16xf32>
    %dot_general3A_54 = tpu.matmul %get3A_1, %slice3A, %dot_general3A_53 {dimension_numbers = #tpu.dot_dimension_numbers<[1], [0], [0], [1], [0, 0, 1, 1], [], []>, transpose_lhs_hint = false} : vector<10000x16xf32>, vector<16x16xf32>, vector<10000x16xf32> -> vector<10000x16xf32>
    %slice3A_55 = vector.extract_strided_slice %get3A_52 {offsets = [16, 0], sizes = [16, 16], strides = [1, 1]} : vector<32x16xf32> to vector<16x16xf32>
    %dot_general3A_56 = arith.constant dense<0.000000e+00> : vector<10000x16xf32>
    %dot_general3A_57 = tpu.matmul %add3A_49, %slice3A_55, %dot_general3A_56 {dimension_numbers = #tpu.dot_dimension_numbers<[1], [0], [0], [1], [0, 0, 1, 1], [], []>, transpose_lhs_hint = false} : vector<10000x16xf32>, vector<16x16xf32>, vector<10000x16xf32> -> vector<10000x16xf32>
    %add3A_58 = arith.addf %dot_general3A_54, %dot_general3A_57 : vector<10000x16xf32>
    %get3A_59 = arith.constant 0 : index
    %get3A_60 = arith.constant 0 : index
    %get3A_61 = vector.load %arg9[%get3A_59, %get3A_60] : memref<1x16xf32, #tpu.memory_space<vmem>>, vector<1x16xf32>
    %add3A_62 = vector.broadcast %get3A_61 : vector<1x16xf32> to vector<10000x16xf32>
    %add3A_63 = arith.addf %add3A_58, %add3A_62 : vector<10000x16xf32>
    %max3A_64 = arith.constant 0.000000e+00 : f32
    %max3A_65 = vector.broadcast %max3A_64 : f32 to vector<10000x16xf32>
    %max3A_66 = arith.maximumf %add3A_63, %max3A_65 : vector<10000x16xf32>
    %get3A_67 = arith.constant 0 : index
    %get3A_68 = arith.constant 0 : index
    %get3A_69 = vector.load %arg10[%get3A_67, %get3A_68] : memref<16x64xf32, #tpu.memory_space<vmem>>, vector<16x64xf32>
    %dot_general3A_70 = arith.constant dense<0.000000e+00> : vector<10000x64xf32>
    %dot_general3A_71 = tpu.matmul %max3A_66, %get3A_69, %dot_general3A_70 {dimension_numbers = #tpu.dot_dimension_numbers<[1], [0], [0], [1], [0, 0, 1, 1], [], []>, transpose_lhs_hint = false} : vector<10000x16xf32>, vector<16x64xf32>, vector<10000x64xf32> -> vector<10000x64xf32>
    %get3A_72 = arith.constant 0 : index
    %get3A_73 = arith.constant 0 : index
    %get3A_74 = vector.load %arg11[%get3A_72, %get3A_73] : memref<1x64xf32, #tpu.memory_space<vmem>>, vector<1x64xf32>
    %add3A_75 = vector.broadcast %get3A_74 : vector<1x64xf32> to vector<10000x64xf32>
    %add3A_76 = arith.addf %dot_general3A_71, %add3A_75 : vector<10000x64xf32>
    %reduce_sum3A_77 = arith.constant dense<0.000000e+00> : vector<64xf32>
    %reduce_sum3A_78 = vector.multi_reduction <add>, %add3A_76, %reduce_sum3A_77 [0] : vector<10000x64xf32> to vector<64xf32>
    %broadcast_in_dim3A_79 = vector.shape_cast %reduce_sum3A_78 : vector<64xf32> to vector<1x64xf32>
    %div3A_80 = arith.constant 1.000000e+04 : f32
    %div3A_81 = vector.broadcast %div3A_80 : f32 to vector<1x64xf32>
    %div3A_82 = arith.divf %broadcast_in_dim3A_79, %div3A_81 : vector<1x64xf32>
    %get3A_83 = arith.constant 0 : index
    %get3A_84 = arith.constant 0 : index
    %get3A_85 = vector.load %arg14[%get3A_83, %get3A_84] : memref<1x64xf32, #tpu.memory_space<vmem>>, vector<1x64xf32>
    %mul3A_86 = arith.mulf %get3A_85, %div3A_82 : vector<1x64xf32>
    %sub3A_87 = vector.broadcast %mul3A_86 : vector<1x64xf32> to vector<10000x64xf32>
    %sub3A_88 = arith.subf %add3A_76, %sub3A_87 : vector<10000x64xf32>
    %mul3A_89 = arith.mulf %sub3A_88, %sub3A_88 : vector<10000x64xf32>
    %reduce_sum3A_90 = arith.constant dense<0.000000e+00> : vector<64xf32>
    %reduce_sum3A_91 = vector.multi_reduction <add>, %mul3A_89, %reduce_sum3A_90 [0] : vector<10000x64xf32> to vector<64xf32>
    %broadcast_in_dim3A_92 = vector.shape_cast %reduce_sum3A_91 : vector<64xf32> to vector<1x64xf32>
    %div3A_93 = arith.constant 1.000000e+04 : f32
    %div3A_94 = vector.broadcast %div3A_93 : f32 to vector<1x64xf32>
    %div3A_95 = arith.divf %broadcast_in_dim3A_92, %div3A_94 : vector<1x64xf32>
    %get3A_96 = arith.constant 0 : index
    %get3A_97 = arith.constant 0 : index
    %get3A_98 = vector.load %arg12[%get3A_96, %get3A_97] : memref<1x64xf32, #tpu.memory_space<vmem>>, vector<1x64xf32>
    %mul3A_99 = vector.broadcast %get3A_98 : vector<1x64xf32> to vector<10000x64xf32>
    %mul3A_100 = arith.mulf %mul3A_99, %sub3A_88 : vector<10000x64xf32>
    %add3A_101 = arith.constant 9.99999974E-6 : f32
    %add3A_102 = vector.broadcast %add3A_101 : f32 to vector<1x64xf32>
    %add3A_103 = arith.addf %div3A_95, %add3A_102 : vector<1x64xf32>
    %sqrt3A_104 = math.sqrt %add3A_103 : vector<1x64xf32>
    %div3A_105 = vector.broadcast %sqrt3A_104 : vector<1x64xf32> to vector<10000x64xf32>
    %div3A_106 = arith.divf %mul3A_100, %div3A_105 : vector<10000x64xf32>
    %get3A_107 = arith.constant 0 : index
    %get3A_108 = arith.constant 0 : index
    %get3A_109 = vector.load %arg13[%get3A_107, %get3A_108] : memref<1x64xf32, #tpu.memory_space<vmem>>, vector<1x64xf32>
    %add3A_110 = vector.broadcast %get3A_109 : vector<1x64xf32> to vector<10000x64xf32>
    %add3A_111 = arith.addf %div3A_106, %add3A_110 : vector<10000x64xf32>
    %max3A_112 = arith.constant 0.000000e+00 : f32
    %max3A_113 = vector.broadcast %max3A_112 : f32 to vector<10000x64xf32>
    %max3A_114 = arith.maximumf %add3A_111, %max3A_113 : vector<10000x64xf32>
    %swap3A = arith.constant 0 : index
    %swap3A_115 = arith.constant 0 : index
    %swap3A_116 = vector.load %arg15[%swap3A, %swap3A_115] : memref<10000x64xf32, #tpu.memory_space<vmem>>, vector<10000x64xf32>
    tpu.vector_store %arg15[%swap3A, %swap3A_115], %max3A_114 {strides = array<i32>} : memref<10000x64xf32, #tpu.memory_space<vmem>>, vector<10000x64xf32>,
    return
  }
}

module attributes {stable_mosaic.version = 14 : i64} {
  func.func @body(%arg0: memref<10000x64xf32, #tpu.memory_space<vmem>>, %arg1: memref<64x16xf32, #tpu.memory_space<vmem>>, %arg2: memref<1x16xf32, #tpu.memory_space<vmem>>, %arg3: memref<10000x16xf32, #tpu.memory_space<vmem>>) attributes {dimension_semantics = [], scalar_prefetch = 0 : i64, scratch_operands = 0 : i64, tpu.core_type = #tpu.core_type<tc>} {
    %get3A = arith.constant 0 : index
    %get3A_0 = arith.constant 0 : index
    %get3A_1 = vector.load %arg0[%get3A, %get3A_0] : memref<10000x64xf32, #tpu.memory_space<vmem>>, vector<10000x64xf32>
    %get3A_2 = arith.constant 0 : index
    %get3A_3 = arith.constant 0 : index
    %get3A_4 = vector.load %arg1[%get3A_2, %get3A_3] : memref<64x16xf32, #tpu.memory_space<vmem>>, vector<64x16xf32>
    %dot_general3A = arith.constant dense<0.000000e+00> : vector<10000x16xf32>
    %dot_general3A_5 = tpu.matmul %get3A_1, %get3A_4, %dot_general3A {dimension_numbers = #tpu.dot_dimension_numbers<[1], [0], [0], [1], [0, 0, 1, 1], [], []>, transpose_lhs_hint = false} : vector<10000x64xf32>, vector<64x16xf32>, vector<10000x16xf32> -> vector<10000x16xf32>
    %get3A_6 = arith.constant 0 : index
    %get3A_7 = arith.constant 0 : index
    %get3A_8 = vector.load %arg2[%get3A_6, %get3A_7] : memref<1x16xf32, #tpu.memory_space<vmem>>, vector<1x16xf32>
    %add3A = vector.broadcast %get3A_8 : vector<1x16xf32> to vector<10000x16xf32>
    %add3A_9 = arith.addf %dot_general3A_5, %add3A : vector<10000x16xf32>
    %swap3A = arith.constant 0 : index
    %swap3A_10 = arith.constant 0 : index
    %swap3A_11 = vector.load %arg3[%swap3A, %swap3A_10] : memref<10000x16xf32, #tpu.memory_space<vmem>>, vector<10000x16xf32>
    tpu.vector_store %arg3[%swap3A, %swap3A_10], %add3A_9 {strides = array<i32>} : memref<10000x16xf32, #tpu.memory_space<vmem>>, vector<10000x16xf32>,
    return
  }
}

module attributes {stable_mosaic.version = 14 : i64} {
  func.func @body(%arg0: memref<10000x64xf32, #tpu.memory_space<vmem>>, %arg1: memref<10000x64xf32, #tpu.memory_space<vmem>>, %arg2: memref<64x64xf32, #tpu.memory_space<vmem>>, %arg3: memref<1x64xf32, #tpu.memory_space<vmem>>, %arg4: memref<64x64xf32, #tpu.memory_space<vmem>>, %arg5: memref<1x64xf32, #tpu.memory_space<vmem>>, %arg6: memref<64x1xf32, #tpu.memory_space<vmem>>, %arg7: memref<64x1xf32, #tpu.memory_space<vmem>>, %arg8: memref<10000x64xf32, #tpu.memory_space<vmem>>) attributes {dimension_semantics = [], scalar_prefetch = 0 : i64, scratch_operands = 0 : i64, tpu.core_type = #tpu.core_type<tc>} {
    %get3A = arith.constant 0 : index
    %get3A_0 = arith.constant 0 : index
    %get3A_1 = vector.load %arg0[%get3A, %get3A_0] : memref<10000x64xf32, #tpu.memory_space<vmem>>, vector<10000x64xf32>
    %get3A_2 = arith.constant 0 : index
    %get3A_3 = arith.constant 0 : index
    %get3A_4 = vector.load %arg2[%get3A_2, %get3A_3] : memref<64x64xf32, #tpu.memory_space<vmem>>, vector<64x64xf32>
    %dot_general3A = arith.constant dense<0.000000e+00> : vector<10000x64xf32>
    %dot_general3A_5 = tpu.matmul %get3A_1, %get3A_4, %dot_general3A {dimension_numbers = #tpu.dot_dimension_numbers<[1], [0], [0], [1], [0, 0, 1, 1], [], []>, transpose_lhs_hint = false} : vector<10000x64xf32>, vector<64x64xf32>, vector<10000x64xf32> -> vector<10000x64xf32>
    %get3A_6 = arith.constant 0 : index
    %get3A_7 = arith.constant 0 : index
    %get3A_8 = vector.load %arg3[%get3A_6, %get3A_7] : memref<1x64xf32, #tpu.memory_space<vmem>>, vector<1x64xf32>
    %add3A = vector.broadcast %get3A_8 : vector<1x64xf32> to vector<10000x64xf32>
    %add3A_9 = arith.addf %dot_general3A_5, %add3A : vector<10000x64xf32>
    %get3A_10 = arith.constant 0 : index
    %get3A_11 = arith.constant 0 : index
    %get3A_12 = vector.load %arg1[%get3A_10, %get3A_11] : memref<10000x64xf32, #tpu.memory_space<vmem>>, vector<10000x64xf32>
    %get3A_13 = arith.constant 0 : index
    %get3A_14 = arith.constant 0 : index
    %get3A_15 = vector.load %arg4[%get3A_13, %get3A_14] : memref<64x64xf32, #tpu.memory_space<vmem>>, vector<64x64xf32>
    %dot_general3A_16 = arith.constant dense<0.000000e+00> : vector<10000x64xf32>
    %dot_general3A_17 = tpu.matmul %get3A_12, %get3A_15, %dot_general3A_16 {dimension_numbers = #tpu.dot_dimension_numbers<[1], [0], [0], [1], [0, 0, 1, 1], [], []>, transpose_lhs_hint = false} : vector<10000x64xf32>, vector<64x64xf32>, vector<10000x64xf32> -> vector<10000x64xf32>
    %get3A_18 = arith.constant 0 : index
    %get3A_19 = arith.constant 0 : index
    %get3A_20 = vector.load %arg5[%get3A_18, %get3A_19] : memref<1x64xf32, #tpu.memory_space<vmem>>, vector<1x64xf32>
    %add3A_21 = vector.broadcast %get3A_20 : vector<1x64xf32> to vector<10000x64xf32>
    %add3A_22 = arith.addf %dot_general3A_17, %add3A_21 : vector<10000x64xf32>
    %get3A_23 = arith.constant 0 : index
    %get3A_24 = arith.constant 0 : index
    %get3A_25 = vector.load %arg6[%get3A_23, %get3A_24] : memref<64x1xf32, #tpu.memory_space<vmem>>, vector<64x1xf32>
    %dot_general3A_26 = arith.constant dense<0.000000e+00> : vector<10000x1xf32>
    %dot_general3A_27 = tpu.matmul %add3A_9, %get3A_25, %dot_general3A_26 {dimension_numbers = #tpu.dot_dimension_numbers<[1], [0], [0], [1], [0, 0, 1, 1], [], []>, transpose_lhs_hint = false} : vector<10000x64xf32>, vector<64x1xf32>, vector<10000x1xf32> -> vector<10000x1xf32>
    %get3A_28 = arith.constant 0 : index
    %get3A_29 = arith.constant 0 : index
    %get3A_30 = vector.load %arg7[%get3A_28, %get3A_29] : memref<64x1xf32, #tpu.memory_space<vmem>>, vector<64x1xf32>
    %dot_general3A_31 = arith.constant dense<0.000000e+00> : vector<10000x1xf32>
    %dot_general3A_32 = tpu.matmul %add3A_22, %get3A_30, %dot_general3A_31 {dimension_numbers = #tpu.dot_dimension_numbers<[1], [0], [0], [1], [0, 0, 1, 1], [], []>, transpose_lhs_hint = false} : vector<10000x64xf32>, vector<64x1xf32>, vector<10000x1xf32> -> vector<10000x1xf32>
    %max3A = arith.maximumf %dot_general3A_27, %dot_general3A_32 : vector<10000x1xf32>
    %sub3A = arith.subf %dot_general3A_27, %max3A : vector<10000x1xf32>
    %exp3A = math.exp %sub3A : vector<10000x1xf32>
    %sub3A_33 = arith.subf %dot_general3A_32, %max3A : vector<10000x1xf32>
    %exp3A_34 = math.exp %sub3A_33 : vector<10000x1xf32>
    %mul3A = vector.broadcast %exp3A : vector<10000x1xf32> to vector<10000x64xf32>
    %mul3A_35 = arith.mulf %mul3A, %add3A_9 : vector<10000x64xf32>
    %mul3A_36 = vector.broadcast %exp3A_34 : vector<10000x1xf32> to vector<10000x64xf32>
    %mul3A_37 = arith.mulf %mul3A_36, %add3A_22 : vector<10000x64xf32>
    %add3A_38 = arith.addf %mul3A_35, %mul3A_37 : vector<10000x64xf32>
    %add3A_39 = arith.addf %exp3A, %exp3A_34 : vector<10000x1xf32>
    %div3A = vector.broadcast %add3A_39 : vector<10000x1xf32> to vector<10000x64xf32>
    %div3A_40 = arith.divf %add3A_38, %div3A : vector<10000x64xf32>
    %swap3A = arith.constant 0 : index
    %swap3A_41 = arith.constant 0 : index
    %swap3A_42 = vector.load %arg8[%swap3A, %swap3A_41] : memref<10000x64xf32, #tpu.memory_space<vmem>>, vector<10000x64xf32>
    tpu.vector_store %arg8[%swap3A, %swap3A_41], %div3A_40 {strides = array<i32>} : memref<10000x64xf32, #tpu.memory_space<vmem>>, vector<10000x64xf32>,
    return
  }
}

</mosaic_0001>

<sc_bundles>
// kernel: kernel.13.cloned.1.call-start
scs
__scs_entry_jumppad:
0x0: {  	(pc) =	sbr.rel $0x88, $3  }
0x1: {  	(tag) =	ssettag $0x0;
	lr =	simm.s32 $0x1  }
0x2: {  	[smem:$0x3F78] =	sst lr;
	_ =	strace $0xD0000000  }
0x3: {  	_ = 	snop  }
0x4: {  	_ = 	snop  }
0x5: {  	_ = 	snop  }
0x6: {  	_ = 	snop  }
0x7: {  	_ = 	snop  }
__scs_overlays_trampoline_lowered:
0x8: {  	[smem:$0x3F87] =	sst s0  }
0x9: {  	[smem:$0x3F88] =	sst s1  }
0xa: {  	[smem:$0x3F89] =	sst s2  }
0xb: {  	[smem:$0x3F8A] =	sst s3  }
0xc: {  	[smem:$0x3F8B] =	sst s4  }
0xd: {  	[smem:$0x3F8C] =	sst s5  }
0xe: {  	[smem:$0x3F8D] =	sst s6  }
0xf: {  	[smem:$0x3F8E] =	sst s7  }
0x10: {  	[smem:$0x3F8F] =	sst s8  }
0x11: {  	[smem:$0x3F90] =	sst s9;
	s0 =	simm.s32 @!p0 $0x0  }
0x12: {  	s1 =	sld [smem:$0x3F76];
	s0 =	simm.s32 @p0 $0x1  }
0x13: {  	[smem:$0x3F91] =	sst s0;
	s0 =	simm.s32 @!p1 $0x0  }
0x14: {  	s2 =	sld [smem:$0x3F75];
	s0 =	simm.s32 @p1 $0x1  }
0x15: {  	[smem:$0x3F92] =	sst s0;
	s0 =	simm.s32 @!p2 $0x0  }
0x16: {  	s3 =	sld [smem:$0x3FDB];
	s0 =	simm.s32 @p2 $0x1  }
0x17: {  	s4 =	simm.s32 $0x1BF5;
	[smem:$0x3F94] =	sst s0  }
0x18: {  	s0 =	sld [smem:$0x3F77];
	_ =	swait.ge [sflag:s4], $0x0  }
0x19: {  	s7 =	sld [smem:$0x3F78]  }
0x1a: {  	s8 =	sadd.s32 $0xFFFFE003, lr  }
0x1b: {  	s9 =	sadd.s32 $0xFFFFFEF7, lr;
	s5 =	simm.s32 $0xFFFFFFFF;
	p2 =	slt.u32 s8, $0xFFFFF086  }
0x1c: {  	p1 =	slt.u32 s9, $0xF7A;
	s5 =	simm.s32 @!p2 $0x0  }
0x1d: {  	s5 =	simm.s32 @p1 $0x1;
	p0 =	seq.s32 s7, s2  }
0x1e: {  	s7 =	smul.u32 @!p0 $0xF7A, s2;
	p2 =	seq.s32 @!p0 s5, $0x0  }
0x1f: {  	s9 =	smul.u32 $0xF7A, s1;
	s8 =	simm.s32 @!p0 $0x1BF5;
	p2 =	por !p2, p0  }
0x20: {  	[sflag:s8] =	ssyncset.s32 @!p0 $0xFFFFF086;
	s6 =	sadd.s32 @!p0 s3, s7;
	s7 =	simm.s32 @!p0 $0x108  }
0x21: {  	s3 =	sadd.s32 s3, s9;
	s6 =	sadd.s32 @!p0 $0x88, s6;
	s7 =	simm.s32 @p2 $0x1082  }
0x22: {  	[simem:s7], [sflag:s8] =	dma.local @!p0 [hbm:s6], $0xF7A  }
0x23: {  	s9 =	sor.u32 $0xD0000000, s2;
	s6 =	simm.s32 $0x108;
	_ =	swait.ge @!p0 [sflag:s8], $0x0  }
0x24: {  	s3 =	sadd.s32 $0x88, s3;
	s6 =	simm.s32 @!p1 $0x1082;
	[sflag:s4] =	ssyncset.s32 $0xFFFFF086  }
0x25: {  	[simem:s6], [sflag:s4] =	dma.local [hbm:s3], $0xF7A  }
0x26: {  	[smem:$0x3F78] =	sst s1;
	(tag) =	ssettag s2;
	_ =	strace s9  }
0x27: {  	s1 =	sld [smem:$0x3F88]  }
0x28: {  	s2 =	sld [smem:$0x3F89]  }
0x29: {  	s4 =	sld [smem:$0x3F8B]  }
0x2a: {  	p0 =	seq.s32 s5, $0x0;
	s5 =	sld [smem:$0x3F8C]  }
0x2b: {  	s6 =	sld [smem:$0x3F8D]  }
0x2c: {  	s7 =	sld [smem:$0x3F8E]  }
0x2d: {  	s3 =	simm.s32 $0x108;
	s8 =	sld [smem:$0x3F8F]  }
0x2e: {  	s3 =	simm.s32 @!p0 $0x1082;
	s9 =	sld [smem:$0x3F90]  }
0x2f: {  	lr =	sadd.s32 s0, s3;
	s0 =	sld [smem:$0x3F87]  }
0x30: {  	s3 =	sld [smem:$0x3F8A]  }
0x31: {  	[smem:$0x3F93] =	sst s10  }
0x32: {  	s10 =	sld [smem:$0x3F91];
	_ =	sdelay $0x3  }
0x33: {  	p0 =	seq.s32 s10, $0x1;
	s10 =	sld [smem:$0x3F93];
	_ =	sdelay $0x3  }
0x34: {  	[smem:$0x3F93] =	sst s10  }
0x35: {  	s10 =	sld [smem:$0x3F92];
	_ =	sdelay $0x3  }
0x36: {  	p1 =	seq.s32 s10, $0x1;
	s10 =	sld [smem:$0x3F93];
	_ =	sdelay $0x3  }
0x37: {  	[smem:$0x3F93] =	sst s10  }
0x38: {  	s10 =	sld [smem:$0x3F94]  }
0x39: {  	_ = 	snop;
	(pc) =	sbr.ind lr, $3  }
0x3a: {  	_ = 	snop  }
0x3b: {  	_ = 	snop  }
0x3c: {  	p2 =	seq.s32 s10, $0x1;
	s10 =	sld [smem:$0x3F93]  }
0x3d: {  	_ =	shalt  }
0x3e: {  	_ =	shalt  }
0x3f: {  	_ =	shalt  }
0x40: {  	_ =	shalt  }
0x41: {  	_ =	shalt  }
0x42: {  	_ =	shalt  }
0x43: {  	_ =	shalt  }
0x44: {  	_ =	shalt  }
0x45: {  	_ =	shalt  }
0x46: {  	_ =	shalt  }
0x47: {  	_ =	shalt  }
0x48: {  	_ =	shalt  }
0x49: {  	_ =	shalt  }
0x4a: {  	_ =	shalt  }
0x4b: {  	_ =	shalt  }
0x4c: {  	_ =	shalt  }
0x4d: {  	_ =	shalt  }
0x4e: {  	_ =	shalt  }
0x4f: {  	_ =	shalt  }
0x50: {  	_ =	shalt  }
0x51: {  	_ =	shalt  }
0x52: {  	_ =	shalt  }
0x53: {  	_ =	shalt  }
0x54: {  	_ =	shalt  }
0x55: {  	_ =	shalt  }
0x56: {  	_ =	shalt  }
0x57: {  	_ =	shalt  }
0x58: {  	_ =	shalt  }
0x59: {  	_ =	shalt  }
0x5a: {  	_ =	shalt  }
0x5b: {  	_ =	shalt  }
0x5c: {  	_ =	shalt  }
0x5d: {  	_ =	shalt  }
0x5e: {  	_ =	shalt  }
0x5f: {  	_ =	shalt  }
0x60: {  	_ =	shalt  }
0x61: {  	_ =	shalt  }
0x62: {  	_ =	shalt  }
0x63: {  	_ =	shalt  }
0x64: {  	_ =	shalt  }
0x65: {  	_ =	shalt  }
0x66: {  	_ =	shalt  }
0x67: {  	_ =	shalt  }
0x68: {  	_ =	shalt  }
0x69: {  	_ =	shalt  }
0x6a: {  	_ =	shalt  }
0x6b: {  	_ =	shalt  }
0x6c: {  	_ =	shalt  }
0x6d: {  	_ =	shalt  }
0x6e: {  	_ =	shalt  }
0x6f: {  	_ =	shalt  }
0x70: {  	_ =	shalt  }
0x71: {  	_ =	shalt  }
0x72: {  	_ =	shalt  }
0x73: {  	_ =	shalt  }
0x74: {  	_ =	shalt  }
0x75: {  	_ =	shalt  }
0x76: {  	_ =	shalt  }
0x77: {  	_ =	shalt  }
0x78: {  	_ =	shalt  }
0x79: {  	_ =	shalt  }
0x7a: {  	_ =	shalt  }
0x7b: {  	_ =	shalt  }
0x7c: {  	_ =	shalt  }
0x7d: {  	_ =	shalt  }
0x7e: {  	_ =	shalt  }
0x7f: {  	_ =	shalt  }
0x80: {  	_ =	shalt  }
0x81: {  	_ =	shalt  }
0x82: {  	_ =	shalt  }
0x83: {  	_ =	shalt  }
0x84: {  	_ =	shalt  }
0x85: {  	_ =	shalt  }
0x86: {  	_ =	shalt  }
0x87: {  	_ =	shalt  }
.Lfunc_end0:
.L_simem_size_0:
called_computation_lowered:
.L_overlay_start_0:
0x88: {  	s2 =	sld [smem:$0x3FD9]  }
0x89: {  	s3 =	sld [smem:$0x3FFE];
	_ =	sdelay $0x1  }
0x8a: {  	s1 =	srdreg.scid  }
0x8b: {  	s0 =	sand.u32 $0x1, s1  }
0x8c: {  	s16 =	sshll.u32 s0, $0xA;
	s2 =	sadd.s32 s3, s2  }
0x8d: {  	s2 =	sadd.s32 s2, s16  }
0x8e: {  	[smem:$0x3F9F] =	sst s2  }
0x8f: {  	_ = 	snop  }
0x90: {  	(tm) =	ssettm $0x1  }
0x91: {  	s17 =	sld [smem:$0x3FFB];
	_ =	sdelay $0x3  }
0x92: {  	_ =	strace s17  }
0x93: {  	s2 =	sld [smem:$0x3FFC];
	_ =	sdelay $0x3  }
0x94: {  	_ =	strace s2  }
0x95: {  	s2 =	sld [smem:$0x3FFD];
	_ =	sdelay $0x3  }
0x96: {  	_ =	strace s2  }
0x97: {  	_ =	strace $0x8FFFFFFF  }
0x98: {  	s18 =	sld [smem:$0x3FDB];
	_ =	sdelay $0x1  }
0x99: {  	s19 =	simm.s32 $_scs_section_size  }
0x9a: {  	s4 =	simm.s32 $_size__tile_overlayer_lowered;
	s5 =	simm.s32 $_tile_overlayer_lowered  }
0x9b: {  	s22 =	simm.s32 $0x1BFF;
	s21 =	sshll.u32 s5, $0x1;
	s2 =	sadd.s32 s19, s18  }
0x9c: {  	s6 =	simm.s32 $0x0;
	s20 =	sshll.u32 s4, $0x1;
	s4 =	sadd.s32 s21, s2  }
0x9d: {  	[timem:s6], [sflag:s22] =	dma.local [hbm:s4], s20  }
0x9e: {  	_ =	swait.ge [sflag:s22], s20  }
0x9f: {  	s3 =	ssub.s32 $0x0, s20;
	[sflag:s22] =	ssyncset.done $0x0  }
0xa0: {  	[sflag:s22] =	ssyncadd.s32 s3;
	_ =	sdelay $0x1  }
0xa1: {  	s23 =	simm.s32 $0x1B8B  }
0xa2: {  	_ =	swait.ge [sflag:s23], $0x1  }
0xa3: {  	[sflag:s23] =	ssyncset.done $0x0  }
0xa4: {  	s25 =	simm.s32 $0x1B8E;
	s24 =	sld [smem:$0x3FFE];
	[sflag:s23] =	ssyncadd.s32 $0xFFFFFFFF  }
0xa5: {  	s26 =	simm.s32 $execute0_lowered;
	[smem:$0x3FD2] =	sst s25  }
0xa6: {  	s4 =	sshll.u32 s26, $0x1;
	_ =	strace $0x80000046;
	[dreg:$0x1] =	wrdreg $0xFFFFFFFF  }
0xa7: {  	s28 =	simm.s32 $_size_execute0_lowered;
	s2 =	sadd.s32 s2, s4;
	[dreg:$0x0] =	wrdreg $0x0  }
0xa8: {  	s4 =	sshll.u32 s28, $0x1;
	[dreg:$0x2] =	wrdreg s2  }
0xa9: {  	[dreg:$0x3] =	wrdreg s4  }
0xaa: {  	[dreg:$0x4] =	wrdreg $0xC0  }
0xab: {  	_ =	task [dreg:s6], $0x5FFFF  }
0xac: {  	[dreg:$0x1] =	wrdreg $0xFFFFFFFF  }
0xad: {  	[dreg:$0x0] =	wrdreg $0x60  }
0xae: {  	[dreg:$0x2] =	wrdreg s24  }
0xaf: {  	[dreg:$0x3] =	wrdreg $0x9  }
0xb0: {  	_ =	task.clear_ibuf [dreg:s6], $0x4FFFF;
	_ =	strace $0x90000046  }
0xb1: {  	s29 =	simm.s32 $0x9;
	_ =	strace $0x80000048  }
0xb2: {  	_ =	swait.ge [sflag:s29], $0x1  }
0xb3: {  	[sflag:s29] =	ssyncadd.s32 $0xFFFFFFFF  }
0xb4: {  	_ =	strace $0x90000048  }
0xb5: {  	_ =	sfence  }
0xb6: {  	s30 =	sld [smem:$0x0];
	_ =	sdelay $0x2  }
0xb7: {  	s31 =	sshll.u32 s1, $0xD;
	s1 =	sshrl.u32 s1, $0x2  }
0xb8: {  	s3 =	sand.u32 $0x4000, s31;
	s1 =	sadd.s32 s1, s30  }
0xb9: {  	s0 =	sor.u32 s3, s0;
	s1 =	sshll.u32 s1, $0x11  }
0xba: {  	s0 =	sor.u32 s1, s0  }
0xbb: {  	s0 =	sadd.s32 $0x8F2B, s0  }
0xbc: {  	[sflag:s0] =	ssyncadd.remote.s32 $0x1  }
0xbd: {  	_ =	sfence.sel $0xFFFF  }
0xbe: {  	[dreg:$0x0] =	wrdreg $0xFFFFFFFF;
	(pc) =	sbr.abs _section_cstart, $3  }
0xbf: {  	[dreg:$0x1] =	wrdreg $0xFFFFFFFF  }
0xc0: {  	_ =	task.clear_ibuf [dreg:s6], $0x2FFFF;
	_ =	strace $0x9FFFFFFF  }
0xc1: {  	(tm) =	ssettm $0x7FFFFFFF  }
tec
execute0_lowered:
.L_overlay_start_1:
0x0: {  	(tag) =	ssettag $0x1  }
0x1: {  	s1 =	srdreg.scid;
	s0 =	stileid.u32  }
0x2: {  	s16 =	sand.u32 $0x1, s1;
	s26 =	sshll.u32 s0, $0x1  }
0x3: {  	s8 =	sor.u32 s16, s26  }
0x4: {  	s9 =	rddreg [dreg:$0x0];
	s17 =	smul.u32 $0x2710, s8  }
0x5: {  	s2 =	simm.s32 $0x0;
	s1 =	rddreg [dreg:$0x1]  }
0x6: {  	[smem:$0x7FF] =	sst s2;
	s15 =	sadd.s32 $0x34800, s9;
	s3 =	sshrl.u32 s17, $0x3  }
0x7: {  	_ =	strace $0x80000047;
	s4 =	sadd.s32 s15, s3;
	s3 =	simm.s32 $0x2  }
0x8: {  	[tilespmem:s2], [sflag:$0x2] =	stream.linear.gather [hbm4b:s4+s2], $0x7D0, $0x38;
	[tilespmem:$0x84D0] =	vst v63  }
0x9: {  	_ =	swait.ge [sflag:s3], $0x7D0  }
0xa: {  	s6 =	simm.s32 $0x7D0;
	[sflag:s3] =	ssyncset.done $0x0  }
0xb: {  	s7 =	simm.s32 $0x1;
	s5 =	sadd.s32 $0x2F800, s9;
	[sflag:s3] =	ssyncadd.s32 $0xFFFFF830  }
0xc: {  	[tilespmem:s6], [sflag:$0x1] =	stream.indirect.gather [hbm4b:s5+s6], $0x10, s2, s6, $0xb8;
	[tilespmem:$0x84D0] =	vst v63  }
0xd: {  	s8 =	smul.u32 $0x4E20, s8;
	_ =	swait.ge [sflag:s7], $0x7D00  }
0xe: {  	s18 =	sadd.s32 $0x3E600, s9;
	[sflag:s7] =	ssyncset.done $0x0  }
0xf: {  	s8 =	sadd.s32 s18, s8;
	[sflag:s7] =	ssyncadd.s32 $0xFFFF8300  }
0x10: {  	[hbm4b:s8+s2] =	stream.linear.scatter [tilespmem:s6], [sflag:$0x2], $0x7D00, $0x38;
	[tilespmem:$0x84D0] =	vst v63  }
0x11: {  	s10 =	sadd.s32 $0x7D0, s17;
	_ =	swait.ge [sflag:s3], $0x7D00  }
0x12: {  	s28 =	sshrl.u32 s10, $0x3;
	[sflag:s3] =	ssyncset.done $0x0  }
0x13: {  	s9 =	sadd.s32 s15, s28;
	[sflag:s3] =	ssyncadd.s32 $0xFFFF8300  }
0x14: {  	[tilespmem:s2], [sflag:$0x2] =	stream.linear.gather [hbm4b:s9+s2], $0x7D0, $0x38;
	[tilespmem:$0x84D0] =	vst v63  }
0x15: {  	_ =	swait.ge [sflag:s3], $0x7D0  }
0x16: {  	[sflag:s3] =	ssyncset.done $0x0  }
0x17: {  	[sflag:s3] =	ssyncadd.s32 $0xFFFFF830  }
0x18: {  	[tilespmem:s6], [sflag:$0x1] =	stream.indirect.gather [hbm4b:s5+s6], $0x10, s2, s6, $0xb8;
	[tilespmem:$0x84D0] =	vst v63  }
0x19: {  	_ =	swait.ge [sflag:s7], $0x7D00  }
0x1a: {  	s10 =	sshll.u32 s10, $0x1;
	[sflag:s7] =	ssyncset.done $0x0  }
0x1b: {  	s10 =	sadd.s32 s18, s10;
	[sflag:s7] =	ssyncadd.s32 $0xFFFF8300  }
0x1c: {  	[hbm4b:s10+s2] =	stream.linear.scatter [tilespmem:s6], [sflag:$0x2], $0x7D00, $0x38;
	[tilespmem:$0x84D0] =	vst v63  }
0x1d: {  	s12 =	sadd.s32 $0xFA0, s17;
	_ =	swait.ge [sflag:s3], $0x7D00  }
0x1e: {  	s11 =	sshrl.u32 s12, $0x3;
	[sflag:s3] =	ssyncset.done $0x0  }
0x1f: {  	s11 =	sadd.s32 s15, s11;
	[sflag:s3] =	ssyncadd.s32 $0xFFFF8300  }
0x20: {  	[tilespmem:s2], [sflag:$0x2] =	stream.linear.gather [hbm4b:s11+s2], $0x7D0, $0x38;
	[tilespmem:$0x84D0] =	vst v63  }
0x21: {  	_ =	swait.ge [sflag:s3], $0x7D0  }
0x22: {  	[sflag:s3] =	ssyncset.done $0x0  }
0x23: {  	[sflag:s3] =	ssyncadd.s32 $0xFFFFF830  }
0x24: {  	[tilespmem:s6], [sflag:$0x1] =	stream.indirect.gather [hbm4b:s5+s6], $0x10, s2, s6, $0xb8;
	[tilespmem:$0x84D0] =	vst v63  }
0x25: {  	_ =	swait.ge [sflag:s7], $0x7D00  }
0x26: {  	s12 =	sshll.u32 s12, $0x1;
	[sflag:s7] =	ssyncset.done $0x0  }
0x27: {  	s12 =	sadd.s32 s18, s12;
	[sflag:s7] =	ssyncadd.s32 $0xFFFF8300  }
0x28: {  	[hbm4b:s12+s2] =	stream.linear.scatter [tilespmem:s6], [sflag:$0x2], $0x7D00, $0x38;
	[tilespmem:$0x84D0] =	vst v63  }
0x29: {  	s14 =	sadd.s32 $0x1770, s17;
	_ =	swait.ge [sflag:s3], $0x7D00  }
0x2a: {  	s13 =	sshrl.u32 s14, $0x3;
	[sflag:s3] =	ssyncset.done $0x0  }
0x2b: {  	s13 =	sadd.s32 s15, s13;
	[sflag:s3] =	ssyncadd.s32 $0xFFFF8300  }
0x2c: {  	[tilespmem:s2], [sflag:$0x2] =	stream.linear.gather [hbm4b:s13+s2], $0x7D0, $0x38;
	[tilespmem:$0x84D0] =	vst v63  }
0x2d: {  	_ =	swait.ge [sflag:s3], $0x7D0  }
0x2e: {  	[sflag:s3] =	ssyncset.done $0x0  }
0x2f: {  	[sflag:s3] =	ssyncadd.s32 $0xFFFFF830  }
0x30: {  	[tilespmem:s6], [sflag:$0x1] =	stream.indirect.gather [hbm4b:s5+s6], $0x10, s2, s6, $0xb8;
	[tilespmem:$0x84D0] =	vst v63  }
0x31: {  	_ =	swait.ge [sflag:s7], $0x7D00  }
0x32: {  	s14 =	sshll.u32 s14, $0x1;
	[sflag:s7] =	ssyncset.done $0x0  }
0x33: {  	s14 =	sadd.s32 s18, s14;
	[sflag:s7] =	ssyncadd.s32 $0xFFFF8300  }
0x34: {  	[hbm4b:s14+s2] =	stream.linear.scatter [tilespmem:s6], [sflag:$0x2], $0x7D00, $0x38;
	[tilespmem:$0x84D0] =	vst v63  }
0x35: {  	s17 =	sadd.s32 $0x1F40, s17;
	_ =	swait.ge [sflag:s3], $0x7D00  }
0x36: {  	s19 =	sshrl.u32 s17, $0x3;
	[sflag:s3] =	ssyncset.done $0x0  }
0x37: {  	s16 =	ssub.s32 $0x2, s16;
	s15 =	sadd.s32 s15, s19;
	[sflag:s3] =	ssyncadd.s32 $0xFFFF8300  }
0x38: {  	[tilespmem:s2], [sflag:$0x2] =	stream.linear.gather [hbm4b:s15+s2], $0x7D0, $0x38;
	[tilespmem:$0x84D0] =	vst v63  }
0x39: {  	s29 =	sshrl.u32 s16, $0x1;
	_ =	swait.ge [sflag:s3], $0x7D0  }
0x3a: {  	s19 =	ssub.s32 s16, s29;
	[sflag:s3] =	ssyncset.done $0x0  }
0x3b: {  	s31 =	smax.u32 s19, $0x1;
	[sflag:s3] =	ssyncadd.s32 $0xFFFFF830  }
0x3c: {  	[tilespmem:s6], [sflag:$0x1] =	stream.indirect.gather [hbm4b:s5+s6], $0x10, s2, s6, $0xb8;
	[tilespmem:$0x84D0] =	vst v63  }
0x3d: {  	p0 =	sne.s32 s31, $0x1;
	_ =	swait.ge [sflag:s7], $0x7D00  }
.Ltmp0:
0x3e: {  	s30 =	sshll.u32 s17, $0x1;
	[sflag:s7] =	ssyncset.done $0x0;
	(pc) =	sbr.rel @!p0 .LBB2_2-.Ltmp0, $4  }
0x3f: {  	s16 =	sadd.s32 s18, s30;
	[sflag:s7] =	ssyncadd.s32 $0xFFFF8300  }
0x40: {  	[hbm4b:s16+s2] =	stream.linear.scatter [tilespmem:s6], [sflag:$0x2], $0x7D00, $0x38;
	[tilespmem:$0x84D0] =	vst v63  }
0x41: {  	_ =	swait.ge [sflag:s3], $0x7D00  }
0x42: {  	s17 =	sadd.s32 $0xFFFFFFFF, s31;
	[sflag:s3] =	ssyncset.done $0x0  }
.LBB2_1:
0x43: {  	p0 =	sne.s32 s17, $0x1;
	s17 =	sadd.s32 $0xFFFFFFFF, s17;
	[sflag:s3] =	ssyncadd.s32 $0xFFFF8300  }
0x44: {  	[tilespmem:s2], [sflag:$0x2] =	stream.linear.gather [hbm4b:s4+s2], $0x7D0, $0x38;
	[tilespmem:$0x84D0] =	vst v63  }
0x45: {  	_ =	swait.ge [sflag:s3], $0x7D0  }
0x46: {  	[sflag:s3] =	ssyncset.done $0x0  }
0x47: {  	[sflag:s3] =	ssyncadd.s32 $0xFFFFF830  }
0x48: {  	[tilespmem:s6], [sflag:$0x1] =	stream.indirect.gather [hbm4b:s5+s6], $0x10, s2, s6, $0xb8;
	[tilespmem:$0x84D0] =	vst v63  }
0x49: {  	_ =	swait.ge [sflag:s7], $0x7D00  }
0x4a: {  	[sflag:s7] =	ssyncset.done $0x0  }
0x4b: {  	[sflag:s7] =	ssyncadd.s32 $0xFFFF8300  }
0x4c: {  	[hbm4b:s8+s2] =	stream.linear.scatter [tilespmem:s6], [sflag:$0x2], $0x7D00, $0x38;
	[tilespmem:$0x84D0] =	vst v63  }
0x4d: {  	_ =	swait.ge [sflag:s3], $0x7D00  }
0x4e: {  	[sflag:s3] =	ssyncset.done $0x0  }
0x4f: {  	[sflag:s3] =	ssyncadd.s32 $0xFFFF8300  }
0x50: {  	[tilespmem:s2], [sflag:$0x2] =	stream.linear.gather [hbm4b:s9+s2], $0x7D0, $0x38;
	[tilespmem:$0x84D0] =	vst v63  }
0x51: {  	_ =	swait.ge [sflag:s3], $0x7D0  }
0x52: {  	[sflag:s3] =	ssyncset.done $0x0  }
0x53: {  	[sflag:s3] =	ssyncadd.s32 $0xFFFFF830  }
0x54: {  	[tilespmem:s6], [sflag:$0x1] =	stream.indirect.gather [hbm4b:s5+s6], $0x10, s2, s6, $0xb8;
	[tilespmem:$0x84D0] =	vst v63  }
0x55: {  	_ =	swait.ge [sflag:s7], $0x7D00  }
0x56: {  	[sflag:s7] =	ssyncset.done $0x0  }
0x57: {  	[sflag:s7] =	ssyncadd.s32 $0xFFFF8300  }
0x58: {  	[hbm4b:s10+s2] =	stream.linear.scatter [tilespmem:s6], [sflag:$0x2], $0x7D00, $0x38;
	[tilespmem:$0x84D0] =	vst v63  }
0x59: {  	_ =	swait.ge [sflag:s3], $0x7D00  }
0x5a: {  	[sflag:s3] =	ssyncset.done $0x0  }
0x5b: {  	[sflag:s3] =	ssyncadd.s32 $0xFFFF8300  }
0x5c: {  	[tilespmem:s2], [sflag:$0x2] =	stream.linear.gather [hbm4b:s11+s2], $0x7D0, $0x38;
	[tilespmem:$0x84D0] =	vst v63  }
0x5d: {  	_ =	swait.ge [sflag:s3], $0x7D0  }
0x5e: {  	[sflag:s3] =	ssyncset.done $0x0  }
0x5f: {  	[sflag:s3] =	ssyncadd.s32 $0xFFFFF830  }
0x60: {  	[tilespmem:s6], [sflag:$0x1] =	stream.indirect.gather [hbm4b:s5+s6], $0x10, s2, s6, $0xb8;
	[tilespmem:$0x84D0] =	vst v63  }
0x61: {  	_ =	swait.ge [sflag:s7], $0x7D00  }
0x62: {  	[sflag:s7] =	ssyncset.done $0x0  }
0x63: {  	[sflag:s7] =	ssyncadd.s32 $0xFFFF8300  }
0x64: {  	[hbm4b:s12+s2] =	stream.linear.scatter [tilespmem:s6], [sflag:$0x2], $0x7D00, $0x38;
	[tilespmem:$0x84D0] =	vst v63  }
0x65: {  	_ =	swait.ge [sflag:s3], $0x7D00  }
0x66: {  	[sflag:s3] =	ssyncset.done $0x0  }
0x67: {  	[sflag:s3] =	ssyncadd.s32 $0xFFFF8300  }
0x68: {  	[tilespmem:s2], [sflag:$0x2] =	stream.linear.gather [hbm4b:s13+s2], $0x7D0, $0x38;
	[tilespmem:$0x84D0] =	vst v63  }
0x69: {  	_ =	swait.ge [sflag:s3], $0x7D0  }
0x6a: {  	[sflag:s3] =	ssyncset.done $0x0  }
0x6b: {  	[sflag:s3] =	ssyncadd.s32 $0xFFFFF830  }
0x6c: {  	[tilespmem:s6], [sflag:$0x1] =	stream.indirect.gather [hbm4b:s5+s6], $0x10, s2, s6, $0xb8;
	[tilespmem:$0x84D0] =	vst v63  }
0x6d: {  	_ =	swait.ge [sflag:s7], $0x7D00  }
0x6e: {  	[sflag:s7] =	ssyncset.done $0x0  }
0x6f: {  	[sflag:s7] =	ssyncadd.s32 $0xFFFF8300  }
0x70: {  	[hbm4b:s14+s2] =	stream.linear.scatter [tilespmem:s6], [sflag:$0x2], $0x7D00, $0x38;
	[tilespmem:$0x84D0] =	vst v63  }
0x71: {  	_ =	swait.ge [sflag:s3], $0x7D00  }
0x72: {  	[sflag:s3] =	ssyncset.done $0x0  }
0x73: {  	[sflag:s3] =	ssyncadd.s32 $0xFFFF8300  }
0x74: {  	[tilespmem:s2], [sflag:$0x2] =	stream.linear.gather [hbm4b:s15+s2], $0x7D0, $0x38;
	[tilespmem:$0x84D0] =	vst v63  }
0x75: {  	_ =	swait.ge [sflag:s3], $0x7D0  }
0x76: {  	[sflag:s3] =	ssyncset.done $0x0  }
0x77: {  	[sflag:s3] =	ssyncadd.s32 $0xFFFFF830  }
0x78: {  	[tilespmem:s6], [sflag:$0x1] =	stream.indirect.gather [hbm4b:s5+s6], $0x10, s2, s6, $0xb8;
	[tilespmem:$0x84D0] =	vst v63  }
0x79: {  	_ =	swait.ge [sflag:s7], $0x7D00  }
.Ltmp1:
0x7a: {  	[sflag:s7] =	ssyncset.done $0x0;
	(pc) =	sbr.rel @p0 .LBB2_1-.Ltmp1, $4  }
0x7b: {  	[sflag:s7] =	ssyncadd.s32 $0xFFFF8300  }
0x7c: {  	[hbm4b:s16+s2] =	stream.linear.scatter [tilespmem:s6], [sflag:$0x2], $0x7D00, $0x38;
	[tilespmem:$0x84D0] =	vst v63  }
0x7d: {  	_ =	swait.ge [sflag:s3], $0x7D00  }
0x7e: {  	[sflag:s3] =	ssyncset.done $0x0  }
.LBB2_2:
0x7f: {  	[sflag:s3] =	ssyncadd.s32 $0xFFFF8300  }
0x80: {  	_ =	sfence.sel $0x180000  }
0x81: {  	[bflag:$0x0] =	sbarrier.arrive $0xFFFF  }
0x82: {  	p0 =	sne.s32 s0, $0x0;
	_ =	strace $0x90000047  }
0x83: {  	s0 =	sadd.s32 @!p0 $0x100000, s1;
	[bflag:$0x2] =	sbarrier.arrive $0xFFFF  }
0x84: {  	[sflag:s0] =	ssyncadd.tile.s32 @!p0 $0x1;
	_ =	shalt  }
.Lfunc_end2:
_tile_overlayer_lowered:
.L_overlay_start_2:
0x85: {  	(tag) =	ssettag $0x2  }
0x86: {  	s0 =	rddreg [dreg:$0x0];
	s2 =	stileid.u32  }
0x87: {  	s1 =	rddreg [dreg:$0x1];
	p0 =	sne.s32 s2, $0x0  }
0x88: {  	s3 =	rddreg [dreg:$0x2];
	[bflag:$0x3] =	sbarrier.arrive $0xFFFF;
	s2 =	simm.s32 @!p0 $0x1C02  }
0x89: {  	[timem:s3], [sflag:s2] =	dma.local @!p0 [hbm:s0], s1  }
0x8a: {  	s0 =	simm.s32 @!p0 $0x2  }
0x8b: {  	_ =	swait.ge @!p0 [sflag:s0], s1  }
0x8c: {  	s1 =	ssub.s32 @!p0 $0x0, s1;
	[sflag:s0] =	ssyncset.done @!p0 $0x0  }
0x8d: {  	[sflag:s0] =	ssyncadd.s32 @!p0 s1  }
0x8e: {  	[bflag:$0x3] =	sbarrier.arrive $0xFFFF  }
0x8f: {  	_ =	shalt  }

// kernel: kernel.16.cloned.1.call-start
scs
__scs_entry_jumppad:
0x0: {  	(pc) =	sbr.rel $0x88, $3  }
0x1: {  	(tag) =	ssettag $0x0;
	lr =	simm.s32 $0x1  }
0x2: {  	[smem:$0x3F78] =	sst lr;
	_ =	strace $0xD0000000  }
0x3: {  	_ = 	snop  }
0x4: {  	_ = 	snop  }
0x5: {  	_ = 	snop  }
0x6: {  	_ = 	snop  }
0x7: {  	_ = 	snop  }
__scs_overlays_trampoline_lowered:
0x8: {  	[smem:$0x3F87] =	sst s0  }
0x9: {  	[smem:$0x3F88] =	sst s1  }
0xa: {  	[smem:$0x3F89] =	sst s2  }
0xb: {  	[smem:$0x3F8A] =	sst s3  }
0xc: {  	[smem:$0x3F8B] =	sst s4  }
0xd: {  	[smem:$0x3F8C] =	sst s5  }
0xe: {  	[smem:$0x3F8D] =	sst s6  }
0xf: {  	[smem:$0x3F8E] =	sst s7  }
0x10: {  	[smem:$0x3F8F] =	sst s8  }
0x11: {  	[smem:$0x3F90] =	sst s9;
	s0 =	simm.s32 @!p0 $0x0  }
0x12: {  	s1 =	sld [smem:$0x3F76];
	s0 =	simm.s32 @p0 $0x1  }
0x13: {  	[smem:$0x3F91] =	sst s0;
	s0 =	simm.s32 @!p1 $0x0  }
0x14: {  	s2 =	sld [smem:$0x3F75];
	s0 =	simm.s32 @p1 $0x1  }
0x15: {  	[smem:$0x3F92] =	sst s0;
	s0 =	simm.s32 @!p2 $0x0  }
0x16: {  	s3 =	sld [smem:$0x3FDB];
	s0 =	simm.s32 @p2 $0x1  }
0x17: {  	s4 =	simm.s32 $0x1BF5;
	[smem:$0x3F94] =	sst s0  }
0x18: {  	s0 =	sld [smem:$0x3F77];
	_ =	swait.ge [sflag:s4], $0x0  }
0x19: {  	s7 =	sld [smem:$0x3F78]  }
0x1a: {  	s8 =	sadd.s32 $0xFFFFE003, lr  }
0x1b: {  	s9 =	sadd.s32 $0xFFFFFEF7, lr;
	s5 =	simm.s32 $0xFFFFFFFF;
	p2 =	slt.u32 s8, $0xFFFFF086  }
0x1c: {  	p1 =	slt.u32 s9, $0xF7A;
	s5 =	simm.s32 @!p2 $0x0  }
0x1d: {  	s5 =	simm.s32 @p1 $0x1;
	p0 =	seq.s32 s7, s2  }
0x1e: {  	s7 =	smul.u32 @!p0 $0xF7A, s2;
	p2 =	seq.s32 @!p0 s5, $0x0  }
0x1f: {  	s9 =	smul.u32 $0xF7A, s1;
	s8 =	simm.s32 @!p0 $0x1BF5;
	p2 =	por !p2, p0  }
0x20: {  	[sflag:s8] =	ssyncset.s32 @!p0 $0xFFFFF086;
	s6 =	sadd.s32 @!p0 s3, s7;
	s7 =	simm.s32 @!p0 $0x108  }
0x21: {  	s3 =	sadd.s32 s3, s9;
	s6 =	sadd.s32 @!p0 $0x88, s6;
	s7 =	simm.s32 @p2 $0x1082  }
0x22: {  	[simem:s7], [sflag:s8] =	dma.local @!p0 [hbm:s6], $0xF7A  }
0x23: {  	s9 =	sor.u32 $0xD0000000, s2;
	s6 =	simm.s32 $0x108;
	_ =	swait.ge @!p0 [sflag:s8], $0x0  }
0x24: {  	s3 =	sadd.s32 $0x88, s3;
	s6 =	simm.s32 @!p1 $0x1082;
	[sflag:s4] =	ssyncset.s32 $0xFFFFF086  }
0x25: {  	[simem:s6], [sflag:s4] =	dma.local [hbm:s3], $0xF7A  }
0x26: {  	[smem:$0x3F78] =	sst s1;
	(tag) =	ssettag s2;
	_ =	strace s9  }
0x27: {  	s1 =	sld [smem:$0x3F88]  }
0x28: {  	s2 =	sld [smem:$0x3F89]  }
0x29: {  	s4 =	sld [smem:$0x3F8B]  }
0x2a: {  	p0 =	seq.s32 s5, $0x0;
	s5 =	sld [smem:$0x3F8C]  }
0x2b: {  	s6 =	sld [smem:$0x3F8D]  }
0x2c: {  	s7 =	sld [smem:$0x3F8E]  }
0x2d: {  	s3 =	simm.s32 $0x108;
	s8 =	sld [smem:$0x3F8F]  }
0x2e: {  	s3 =	simm.s32 @!p0 $0x1082;
	s9 =	sld [smem:$0x3F90]  }
0x2f: {  	lr =	sadd.s32 s0, s3;
	s0 =	sld [smem:$0x3F87]  }
0x30: {  	s3 =	sld [smem:$0x3F8A]  }
0x31: {  	[smem:$0x3F93] =	sst s10  }
0x32: {  	s10 =	sld [smem:$0x3F91];
	_ =	sdelay $0x3  }
0x33: {  	p0 =	seq.s32 s10, $0x1;
	s10 =	sld [smem:$0x3F93];
	_ =	sdelay $0x3  }
0x34: {  	[smem:$0x3F93] =	sst s10  }
0x35: {  	s10 =	sld [smem:$0x3F92];
	_ =	sdelay $0x3  }
0x36: {  	p1 =	seq.s32 s10, $0x1;
	s10 =	sld [smem:$0x3F93];
	_ =	sdelay $0x3  }
0x37: {  	[smem:$0x3F93] =	sst s10  }
0x38: {  	s10 =	sld [smem:$0x3F94]  }
0x39: {  	_ = 	snop;
	(pc) =	sbr.ind lr, $3  }
0x3a: {  	_ = 	snop  }
0x3b: {  	_ = 	snop  }
0x3c: {  	p2 =	seq.s32 s10, $0x1;
	s10 =	sld [smem:$0x3F93]  }
0x3d: {  	_ =	shalt  }
0x3e: {  	_ =	shalt  }
0x3f: {  	_ =	shalt  }
0x40: {  	_ =	shalt  }
0x41: {  	_ =	shalt  }
0x42: {  	_ =	shalt  }
0x43: {  	_ =	shalt  }
0x44: {  	_ =	shalt  }
0x45: {  	_ =	shalt  }
0x46: {  	_ =	shalt  }
0x47: {  	_ =	shalt  }
0x48: {  	_ =	shalt  }
0x49: {  	_ =	shalt  }
0x4a: {  	_ =	shalt  }
0x4b: {  	_ =	shalt  }
0x4c: {  	_ =	shalt  }
0x4d: {  	_ =	shalt  }
0x4e: {  	_ =	shalt  }
0x4f: {  	_ =	shalt  }
0x50: {  	_ =	shalt  }
0x51: {  	_ =	shalt  }
0x52: {  	_ =	shalt  }
0x53: {  	_ =	shalt  }
0x54: {  	_ =	shalt  }
0x55: {  	_ =	shalt  }
0x56: {  	_ =	shalt  }
0x57: {  	_ =	shalt  }
0x58: {  	_ =	shalt  }
0x59: {  	_ =	shalt  }
0x5a: {  	_ =	shalt  }
0x5b: {  	_ =	shalt  }
0x5c: {  	_ =	shalt  }
0x5d: {  	_ =	shalt  }
0x5e: {  	_ =	shalt  }
0x5f: {  	_ =	shalt  }
0x60: {  	_ =	shalt  }
0x61: {  	_ =	shalt  }
0x62: {  	_ =	shalt  }
0x63: {  	_ =	shalt  }
0x64: {  	_ =	shalt  }
0x65: {  	_ =	shalt  }
0x66: {  	_ =	shalt  }
0x67: {  	_ =	shalt  }
0x68: {  	_ =	shalt  }
0x69: {  	_ =	shalt  }
0x6a: {  	_ =	shalt  }
0x6b: {  	_ =	shalt  }
0x6c: {  	_ =	shalt  }
0x6d: {  	_ =	shalt  }
0x6e: {  	_ =	shalt  }
0x6f: {  	_ =	shalt  }
0x70: {  	_ =	shalt  }
0x71: {  	_ =	shalt  }
0x72: {  	_ =	shalt  }
0x73: {  	_ =	shalt  }
0x74: {  	_ =	shalt  }
0x75: {  	_ =	shalt  }
0x76: {  	_ =	shalt  }
0x77: {  	_ =	shalt  }
0x78: {  	_ =	shalt  }
0x79: {  	_ =	shalt  }
0x7a: {  	_ =	shalt  }
0x7b: {  	_ =	shalt  }
0x7c: {  	_ =	shalt  }
0x7d: {  	_ =	shalt  }
0x7e: {  	_ =	shalt  }
0x7f: {  	_ =	shalt  }
0x80: {  	_ =	shalt  }
0x81: {  	_ =	shalt  }
0x82: {  	_ =	shalt  }
0x83: {  	_ =	shalt  }
0x84: {  	_ =	shalt  }
0x85: {  	_ =	shalt  }
0x86: {  	_ =	shalt  }
0x87: {  	_ =	shalt  }
.Lfunc_end0:
.L_simem_size_0:
called_computation.1_lowered:
.L_overlay_start_0:
0x88: {  	s2 =	sld [smem:$0x3FD9]  }
0x89: {  	s3 =	sld [smem:$0x3FFE];
	_ =	sdelay $0x1  }
0x8a: {  	s1 =	srdreg.scid  }
0x8b: {  	s0 =	sand.u32 $0x1, s1  }
0x8c: {  	s17 =	sshll.u32 s0, $0xA;
	s2 =	sadd.s32 s3, s2  }
0x8d: {  	s2 =	sadd.s32 s2, s17  }
0x8e: {  	[smem:$0x3F9F] =	sst s2  }
0x8f: {  	_ = 	snop  }
0x90: {  	s2 =	sld [smem:$0x3FD0];
	(tm) =	ssettm $0x1  }
0x91: {  	s18 =	sld [smem:$0x3FFB];
	_ =	sdelay $0x3  }
0x92: {  	_ =	strace s18  }
0x93: {  	s3 =	sld [smem:$0x3FFC];
	_ =	sdelay $0x3  }
0x94: {  	_ =	strace s3  }
0x95: {  	s3 =	sld [smem:$0x3FFD];
	_ =	sdelay $0x3  }
0x96: {  	_ =	strace s3  }
0x97: {  	_ =	strace $0x8FFFFFFF  }
0x98: {  	s19 =	sld [smem:$0x3FDB];
	_ =	sdelay $0x1  }
0x99: {  	s4 =	simm.s32 $_scs_section_size  }
0x9a: {  	s5 =	simm.s32 $_size__tile_overlayer_lowered;
	s6 =	simm.s32 $_tile_overlayer_lowered  }
0x9b: {  	s22 =	simm.s32 $0x1BFF;
	s21 =	sshll.u32 s6, $0x1;
	s3 =	sadd.s32 s4, s19  }
0x9c: {  	s7 =	simm.s32 $0x0;
	s20 =	sshll.u32 s5, $0x1;
	s5 =	sadd.s32 s21, s3  }
0x9d: {  	[timem:s7], [sflag:s22] =	dma.local [hbm:s5], s20  }
0x9e: {  	_ =	swait.ge [sflag:s22], s20  }
0x9f: {  	s4 =	ssub.s32 $0x0, s20;
	[sflag:s22] =	ssyncset.done $0x0  }
0xa0: {  	[sflag:s22] =	ssyncadd.s32 s4;
	_ =	sdelay $0x1  }
0xa1: {  	s23 =	simm.s32 $0x1B8B  }
0xa2: {  	_ =	swait.ge [sflag:s23], $0x1  }
0xa3: {  	[sflag:s23] =	ssyncset.done $0x0  }
0xa4: {  	s25 =	simm.s32 $0x1B8E;
	s24 =	sld [smem:$0x3FFE];
	[sflag:s23] =	ssyncadd.s32 $0xFFFFFFFF  }
0xa5: {  	s26 =	simm.s32 $execute0_lowered;
	[smem:$0x3FD2] =	sst s25  }
0xa6: {  	s5 =	sshll.u32 s26, $0x1;
	_ =	strace $0x80000049;
	[dreg:$0x1] =	wrdreg $0xFFFFFFFF  }
0xa7: {  	s28 =	simm.s32 $_size_execute0_lowered;
	s3 =	sadd.s32 s3, s5;
	[dreg:$0x0] =	wrdreg $0x0  }
0xa8: {  	s5 =	sshll.u32 s28, $0x1;
	[dreg:$0x2] =	wrdreg s3  }
0xa9: {  	[dreg:$0x3] =	wrdreg s5  }
0xaa: {  	[dreg:$0x4] =	wrdreg $0xC0  }
0xab: {  	_ =	task [dreg:s7], $0x5FFFF  }
0xac: {  	[dreg:$0x1] =	wrdreg $0xFFFFFFFF  }
0xad: {  	[dreg:$0x0] =	wrdreg $0x60  }
0xae: {  	[dreg:$0x2] =	wrdreg s24  }
0xaf: {  	[dreg:$0x3] =	wrdreg s2  }
0xb0: {  	[dreg:$0x4] =	wrdreg $0x84D00  }
0xb1: {  	[dreg:$0x5] =	wrdreg $0x9  }
0xb2: {  	_ =	task.clear_ibuf [dreg:s7], $0x6FFFF;
	_ =	strace $0x90000049  }
0xb3: {  	s29 =	simm.s32 $0x9;
	_ =	strace $0x8000004B  }
0xb4: {  	_ =	swait.ge [sflag:s29], $0x1  }
0xb5: {  	[sflag:s29] =	ssyncadd.s32 $0xFFFFFFFF  }
0xb6: {  	_ =	strace $0x9000004B  }
0xb7: {  	_ =	sfence  }
0xb8: {  	s30 =	sld [smem:$0x0];
	_ =	sdelay $0x2  }
0xb9: {  	s31 =	sshll.u32 s1, $0xD;
	s1 =	sshrl.u32 s1, $0x2  }
0xba: {  	s3 =	sand.u32 $0x4000, s31;
	s1 =	sadd.s32 s1, s30  }
0xbb: {  	s0 =	sor.u32 s3, s0;
	s1 =	sshll.u32 s1, $0x11  }
0xbc: {  	s0 =	sor.u32 s1, s0  }
0xbd: {  	s0 =	sadd.s32 $0x8F2B, s0  }
0xbe: {  	[sflag:s0] =	ssyncadd.remote.s32 $0x1  }
0xbf: {  	_ =	sfence.sel $0xFFFF  }
0xc0: {  	[dreg:$0x0] =	wrdreg $0xFFFFFFFF;
	(pc) =	sbr.abs _section_cstart, $3  }
0xc1: {  	[dreg:$0x1] =	wrdreg $0xFFFFFFFF  }
0xc2: {  	_ =	task.clear_ibuf [dreg:s7], $0x2FFFF;
	_ =	strace $0x9FFFFFFF  }
0xc3: {  	(tm) =	ssettm $0x7FFFFFFF  }
tec
execute0_lowered:
.L_overlay_start_1:
0x0: {  	(tag) =	ssettag $0x1  }
0x1: {  	s19 =	rddreg [dreg:$0x0]  }
0x2: {  	s17 =	rddreg [dreg:$0x1]  }
0x3: {  	s0 =	stileid.u32;
	s2 =	rddreg [dreg:$0x2]  }
0x4: {  	s1 =	rddreg [dreg:$0x3];
	s3 =	simm.s32 $0x0;
	s5 =	srdreg.scid  }
0x5: {  	s20 =	smul.u32 $0x2710, s0;
	[smem:$0x7FF] =	sst s3  }
0x6: {  	s21 =	sand.u32 $0x1, s5;
	s28 =	sshll.u32 s0, $0x6;
	s7 =	sshll.u32 s0, $0x1  }
0x7: {  	_ =	strace $0x8000004A;
	s5 =	sor.u32 $0x1C01, s28;
	s4 =	sshrl.u32 s20, $0x3  }
0x8: {  	s9 =	sor.u32 s21, s7;
	s6 =	sadd.s32 s20, s2;
	s4 =	sadd.s32 s4, s19  }
0x9: {  	s7 =	sshrl.u32 s6, $0x3;
	s6 =	simm.s32 $0x1;
	s4 =	sadd.s32 $0x2F800, s4  }
0xa: {  	[spmem:s7], [sflag:s5] =	dma.local [hbm:s4], $0x4E2  }
0xb: {  	s22 =	smul.u32 $0x2710, s9;
	_ =	swait.ge [sflag:s6], $0x4E2  }
0xc: {  	[sflag:s6] =	ssyncset.done $0x0  }
0xd: {  	s8 =	sshrl.u32 s22, $0x3;
	[sflag:s6] =	ssyncadd.s32 $0xFFFFFB1E  }
0xe: {  	s8 =	sadd.s32 s17, s8;
	[bflag:$0x0] =	sbarrier.arrive $0xFFFF  }
0xf: {  	[tilespmem:s3], [sflag:$0x1] =	stream.linear.gather [hbm4b:s8+s3], $0x7D0, $0x38;
	[tilespmem:$0xABE0] =	vst v63  }
0x10: {  	s9 =	smul.u32 $0x4E20, s9;
	_ =	swait.ge [sflag:s6], $0x7D0  }
0x11: {  	s18 =	sadd.s32 $0x3E600, s19;
	[sflag:s6] =	ssyncset.done $0x0  }
0x12: {  	s10 =	simm.s32 $0x7D0;
	s9 =	sadd.s32 s18, s9;
	[sflag:s6] =	ssyncadd.s32 $0xFFFFF830  }
0x13: {  	[tilespmem:s10], [sflag:$0x1] =	stream.linear.gather [hbm4b:s9+s3], $0x7D00, $0x38;
	[tilespmem:$0xABE0] =	vst v63  }
0x14: {  	_ =	swait.ge [sflag:s6], $0x7D00  }
0x15: {  	[sflag:s6] =	ssyncset.done $0x0  }
0x16: {  	[sflag:s6] =	ssyncadd.s32 $0xFFFF8300  }
0x17: {  	[spmem:s2] =	stream.indirect.scatter.add.f32 [tilespmem:s10], [sflag:$0x1], $0x10, s3, s10, $0xb8;
	[tilespmem:$0xABE0] =	vst v63  }
0x18: {  	s12 =	sadd.s32 $0x7D0, s22;
	_ =	swait.ge [sflag:s6], $0x7D00  }
0x19: {  	s11 =	sshrl.u32 s12, $0x3;
	[sflag:s6] =	ssyncset.done $0x0  }
0x1a: {  	s11 =	sadd.s32 s17, s11;
	[sflag:s6] =	ssyncadd.s32 $0xFFFF8300  }
0x1b: {  	[tilespmem:s3], [sflag:$0x1] =	stream.linear.gather [hbm4b:s11+s3], $0x7D0, $0x38;
	[tilespmem:$0xABE0] =	vst v63  }
0x1c: {  	_ =	swait.ge [sflag:s6], $0x7D0  }
0x1d: {  	s12 =	sshll.u32 s12, $0x1;
	[sflag:s6] =	ssyncset.done $0x0  }
0x1e: {  	s12 =	sadd.s32 s18, s12;
	[sflag:s6] =	ssyncadd.s32 $0xFFFFF830  }
0x1f: {  	[tilespmem:s10], [sflag:$0x1] =	stream.linear.gather [hbm4b:s12+s3], $0x7D00, $0x38;
	[tilespmem:$0xABE0] =	vst v63  }
0x20: {  	_ =	swait.ge [sflag:s6], $0x7D00  }
0x21: {  	[sflag:s6] =	ssyncset.done $0x0  }
0x22: {  	[sflag:s6] =	ssyncadd.s32 $0xFFFF8300  }
0x23: {  	[spmem:s2] =	stream.indirect.scatter.add.f32 [tilespmem:s10], [sflag:$0x1], $0x10, s3, s10, $0xb8;
	[tilespmem:$0xABE0] =	vst v63  }
0x24: {  	s14 =	sadd.s32 $0xFA0, s22;
	_ =	swait.ge [sflag:s6], $0x7D00  }
0x25: {  	s13 =	sshrl.u32 s14, $0x3;
	[sflag:s6] =	ssyncset.done $0x0  }
0x26: {  	s13 =	sadd.s32 s17, s13;
	[sflag:s6] =	ssyncadd.s32 $0xFFFF8300  }
0x27: {  	[tilespmem:s3], [sflag:$0x1] =	stream.linear.gather [hbm4b:s13+s3], $0x7D0, $0x38;
	[tilespmem:$0xABE0] =	vst v63  }
0x28: {  	_ =	swait.ge [sflag:s6], $0x7D0  }
0x29: {  	s14 =	sshll.u32 s14, $0x1;
	[sflag:s6] =	ssyncset.done $0x0  }
0x2a: {  	s14 =	sadd.s32 s18, s14;
	[sflag:s6] =	ssyncadd.s32 $0xFFFFF830  }
0x2b: {  	[tilespmem:s10], [sflag:$0x1] =	stream.linear.gather [hbm4b:s14+s3], $0x7D00, $0x38;
	[tilespmem:$0xABE0] =	vst v63  }
0x2c: {  	_ =	swait.ge [sflag:s6], $0x7D00  }
0x2d: {  	[sflag:s6] =	ssyncset.done $0x0  }
0x2e: {  	[sflag:s6] =	ssyncadd.s32 $0xFFFF8300  }
0x2f: {  	[spmem:s2] =	stream.indirect.scatter.add.f32 [tilespmem:s10], [sflag:$0x1], $0x10, s3, s10, $0xb8;
	[tilespmem:$0xABE0] =	vst v63  }
0x30: {  	s16 =	sadd.s32 $0x1770, s22;
	_ =	swait.ge [sflag:s6], $0x7D00  }
0x31: {  	s15 =	sshrl.u32 s16, $0x3;
	[sflag:s6] =	ssyncset.done $0x0  }
0x32: {  	s15 =	sadd.s32 s17, s15;
	[sflag:s6] =	ssyncadd.s32 $0xFFFF8300  }
0x33: {  	[tilespmem:s3], [sflag:$0x1] =	stream.linear.gather [hbm4b:s15+s3], $0x7D0, $0x38;
	[tilespmem:$0xABE0] =	vst v63  }
0x34: {  	_ =	swait.ge [sflag:s6], $0x7D0  }
0x35: {  	s16 =	sshll.u32 s16, $0x1;
	[sflag:s6] =	ssyncset.done $0x0  }
0x36: {  	s16 =	sadd.s32 s18, s16;
	[sflag:s6] =	ssyncadd.s32 $0xFFFFF830  }
0x37: {  	[tilespmem:s10], [sflag:$0x1] =	stream.linear.gather [hbm4b:s16+s3], $0x7D00, $0x38;
	[tilespmem:$0xABE0] =	vst v63  }
0x38: {  	_ =	swait.ge [sflag:s6], $0x7D00  }
0x39: {  	[sflag:s6] =	ssyncset.done $0x0  }
0x3a: {  	[sflag:s6] =	ssyncadd.s32 $0xFFFF8300  }
0x3b: {  	[spmem:s2] =	stream.indirect.scatter.add.f32 [tilespmem:s10], [sflag:$0x1], $0x10, s3, s10, $0xb8;
	[tilespmem:$0xABE0] =	vst v63  }
0x3c: {  	s22 =	sadd.s32 $0x1F40, s22;
	_ =	swait.ge [sflag:s6], $0x7D00  }
0x3d: {  	s23 =	sshrl.u32 s22, $0x3;
	[sflag:s6] =	ssyncset.done $0x0  }
0x3e: {  	s17 =	sadd.s32 s17, s23;
	[sflag:s6] =	ssyncadd.s32 $0xFFFF8300  }
0x3f: {  	[tilespmem:s3], [sflag:$0x1] =	stream.linear.gather [hbm4b:s17+s3], $0x7D0, $0x38;
	[tilespmem:$0xABE0] =	vst v63  }
0x40: {  	_ =	swait.ge [sflag:s6], $0x7D0  }
0x41: {  	s22 =	sshll.u32 s22, $0x1;
	[sflag:s6] =	ssyncset.done $0x0  }
0x42: {  	s29 =	smul.u32 $0x27100, s21;
	s18 =	sadd.s32 s18, s22;
	[sflag:s6] =	ssyncadd.s32 $0xFFFFF830  }
0x43: {  	[tilespmem:s10], [sflag:$0x1] =	stream.linear.gather [hbm4b:s18+s3], $0x7D00, $0x38;
	[tilespmem:$0xABE0] =	vst v63  }
0x44: {  	s21 =	ssub.s32 $0x2, s21;
	_ =	swait.ge [sflag:s6], $0x7D00  }
0x45: {  	s30 =	sshrl.u32 s21, $0x1;
	s20 =	sadd.s32 s20, s29;
	[sflag:s6] =	ssyncset.done $0x0  }
0x46: {  	s31 =	ssub.s32 s21, s30;
	s20 =	sshrl.u32 s20, $0x3;
	[sflag:s6] =	ssyncadd.s32 $0xFFFF8300  }
0x47: {  	[spmem:s2] =	stream.indirect.scatter.add.f32 [tilespmem:s10], [sflag:$0x1], $0x10, s3, s10, $0xb8;
	[tilespmem:$0xABE0] =	vst v63  }
0x48: {  	s19 =	sadd.s32 s20, s19;
	s20 =	smax.u32 s31, $0x1;
	_ =	swait.ge [sflag:s6], $0x7D00  }
0x49: {  	p0 =	sne.s32 s20, $0x1;
	[sflag:s6] =	ssyncset.done $0x0  }
.Ltmp0:
0x4a: {  	[sflag:s6] =	ssyncadd.s32 $0xFFFF8300;
	(pc) =	sbr.rel @!p0 .LBB2_2-.Ltmp0, $4  }
0x4b: {  	s19 =	sadd.s32 $0x182E00, s19;
	[bflag:$0x0] =	sbarrier.arrive $0xFFFF  }
0x4c: {  	[hbm:s19], [sflag:s5] =	dma.local [spmem:s7], $0x4E2  }
0x4d: {  	_ =	swait.ge [sflag:s6], $0x4E2  }
0x4e: {  	s20 =	sadd.s32 $0xFFFFFFFF, s20;
	[sflag:s6] =	ssyncset.done $0x0  }
.LBB2_1:
0x4f: {  	p0 =	sne.s32 s20, $0x1;
	s20 =	sadd.s32 $0xFFFFFFFF, s20;
	[sflag:s6] =	ssyncadd.s32 $0xFFFFFB1E  }
0x50: {  	[spmem:s7], [sflag:s5] =	dma.local [hbm:s4], $0x4E2  }
0x51: {  	_ =	swait.ge [sflag:s6], $0x4E2  }
0x52: {  	[sflag:s6] =	ssyncset.done $0x0  }
0x53: {  	[sflag:s6] =	ssyncadd.s32 $0xFFFFFB1E  }
0x54: {  	[bflag:$0x0] =	sbarrier.arrive $0xFFFF  }
0x55: {  	[tilespmem:s3], [sflag:$0x1] =	stream.linear.gather [hbm4b:s8+s3], $0x7D0, $0x38;
	[tilespmem:$0xABE0] =	vst v63  }
0x56: {  	_ =	swait.ge [sflag:s6], $0x7D0  }
0x57: {  	[sflag:s6] =	ssyncset.done $0x0  }
0x58: {  	[sflag:s6] =	ssyncadd.s32 $0xFFFFF830  }
0x59: {  	[tilespmem:s10], [sflag:$0x1] =	stream.linear.gather [hbm4b:s9+s3], $0x7D00, $0x38;
	[tilespmem:$0xABE0] =	vst v63  }
0x5a: {  	_ =	swait.ge [sflag:s6], $0x7D00  }
0x5b: {  	[sflag:s6] =	ssyncset.done $0x0  }
0x5c: {  	[sflag:s6] =	ssyncadd.s32 $0xFFFF8300  }
0x5d: {  	[spmem:s2] =	stream.indirect.scatter.add.f32 [tilespmem:s10], [sflag:$0x1], $0x10, s3, s10, $0xb8;
	[tilespmem:$0xABE0] =	vst v63  }
0x5e: {  	_ =	swait.ge [sflag:s6], $0x7D00  }
0x5f: {  	[sflag:s6] =	ssyncset.done $0x0  }
0x60: {  	[sflag:s6] =	ssyncadd.s32 $0xFFFF8300  }
0x61: {  	[tilespmem:s3], [sflag:$0x1] =	stream.linear.gather [hbm4b:s11+s3], $0x7D0, $0x38;
	[tilespmem:$0xABE0] =	vst v63  }
0x62: {  	_ =	swait.ge [sflag:s6], $0x7D0  }
0x63: {  	[sflag:s6] =	ssyncset.done $0x0  }
0x64: {  	[sflag:s6] =	ssyncadd.s32 $0xFFFFF830  }
0x65: {  	[tilespmem:s10], [sflag:$0x1] =	stream.linear.gather [hbm4b:s12+s3], $0x7D00, $0x38;
	[tilespmem:$0xABE0] =	vst v63  }
0x66: {  	_ =	swait.ge [sflag:s6], $0x7D00  }
0x67: {  	[sflag:s6] =	ssyncset.done $0x0  }
0x68: {  	[sflag:s6] =	ssyncadd.s32 $0xFFFF8300  }
0x69: {  	[spmem:s2] =	stream.indirect.scatter.add.f32 [tilespmem:s10], [sflag:$0x1], $0x10, s3, s10, $0xb8;
	[tilespmem:$0xABE0] =	vst v63  }
0x6a: {  	_ =	swait.ge [sflag:s6], $0x7D00  }
0x6b: {  	[sflag:s6] =	ssyncset.done $0x0  }
0x6c: {  	[sflag:s6] =	ssyncadd.s32 $0xFFFF8300  }
0x6d: {  	[tilespmem:s3], [sflag:$0x1] =	stream.linear.gather [hbm4b:s13+s3], $0x7D0, $0x38;
	[tilespmem:$0xABE0] =	vst v63  }
0x6e: {  	_ =	swait.ge [sflag:s6], $0x7D0  }
0x6f: {  	[sflag:s6] =	ssyncset.done $0x0  }
0x70: {  	[sflag:s6] =	ssyncadd.s32 $0xFFFFF830  }
0x71: {  	[tilespmem:s10], [sflag:$0x1] =	stream.linear.gather [hbm4b:s14+s3], $0x7D00, $0x38;
	[tilespmem:$0xABE0] =	vst v63  }
0x72: {  	_ =	swait.ge [sflag:s6], $0x7D00  }
0x73: {  	[sflag:s6] =	ssyncset.done $0x0  }
0x74: {  	[sflag:s6] =	ssyncadd.s32 $0xFFFF8300  }
0x75: {  	[spmem:s2] =	stream.indirect.scatter.add.f32 [tilespmem:s10], [sflag:$0x1], $0x10, s3, s10, $0xb8;
	[tilespmem:$0xABE0] =	vst v63  }
0x76: {  	_ =	swait.ge [sflag:s6], $0x7D00  }
0x77: {  	[sflag:s6] =	ssyncset.done $0x0  }
0x78: {  	[sflag:s6] =	ssyncadd.s32 $0xFFFF8300  }
0x79: {  	[tilespmem:s3], [sflag:$0x1] =	stream.linear.gather [hbm4b:s15+s3], $0x7D0, $0x38;
	[tilespmem:$0xABE0] =	vst v63  }
0x7a: {  	_ =	swait.ge [sflag:s6], $0x7D0  }
0x7b: {  	[sflag:s6] =	ssyncset.done $0x0  }
0x7c: {  	[sflag:s6] =	ssyncadd.s32 $0xFFFFF830  }
0x7d: {  	[tilespmem:s10], [sflag:$0x1] =	stream.linear.gather [hbm4b:s16+s3], $0x7D00, $0x38;
	[tilespmem:$0xABE0] =	vst v63  }
0x7e: {  	_ =	swait.ge [sflag:s6], $0x7D00  }
0x7f: {  	[sflag:s6] =	ssyncset.done $0x0  }
0x80: {  	[sflag:s6] =	ssyncadd.s32 $0xFFFF8300  }
0x81: {  	[spmem:s2] =	stream.indirect.scatter.add.f32 [tilespmem:s10], [sflag:$0x1], $0x10, s3, s10, $0xb8;
	[tilespmem:$0xABE0] =	vst v63  }
0x82: {  	_ =	swait.ge [sflag:s6], $0x7D00  }
0x83: {  	[sflag:s6] =	ssyncset.done $0x0  }
0x84: {  	[sflag:s6] =	ssyncadd.s32 $0xFFFF8300  }
0x85: {  	[tilespmem:s3], [sflag:$0x1] =	stream.linear.gather [hbm4b:s17+s3], $0x7D0, $0x38;
	[tilespmem:$0xABE0] =	vst v63  }
0x86: {  	_ =	swait.ge [sflag:s6], $0x7D0  }
0x87: {  	[sflag:s6] =	ssyncset.done $0x0  }
0x88: {  	[sflag:s6] =	ssyncadd.s32 $0xFFFFF830  }
0x89: {  	[tilespmem:s10], [sflag:$0x1] =	stream.linear.gather [hbm4b:s18+s3], $0x7D00, $0x38;
	[tilespmem:$0xABE0] =	vst v63  }
0x8a: {  	_ =	swait.ge [sflag:s6], $0x7D00  }
0x8b: {  	[sflag:s6] =	ssyncset.done $0x0  }
0x8c: {  	[sflag:s6] =	ssyncadd.s32 $0xFFFF8300  }
0x8d: {  	[spmem:s2] =	stream.indirect.scatter.add.f32 [tilespmem:s10], [sflag:$0x1], $0x10, s3, s10, $0xb8;
	[tilespmem:$0xABE0] =	vst v63  }
0x8e: {  	_ =	swait.ge [sflag:s6], $0x7D00  }
0x8f: {  	[sflag:s6] =	ssyncset.done $0x0  }
.Ltmp1:
0x90: {  	[sflag:s6] =	ssyncadd.s32 $0xFFFF8300;
	(pc) =	sbr.rel @p0 .LBB2_1-.Ltmp1, $4  }
0x91: {  	[bflag:$0x0] =	sbarrier.arrive $0xFFFF  }
0x92: {  	[hbm:s19], [sflag:s5] =	dma.local [spmem:s7], $0x4E2  }
0x93: {  	_ =	swait.ge [sflag:s6], $0x4E2  }
0x94: {  	[sflag:s6] =	ssyncset.done $0x0  }
.LBB2_2:
0x95: {  	[sflag:s6] =	ssyncadd.s32 $0xFFFFFB1E  }
0x96: {  	_ =	sfence.sel $0x180000  }
0x97: {  	[bflag:$0x0] =	sbarrier.arrive $0xFFFF  }
0x98: {  	p0 =	sne.s32 s0, $0x0;
	_ =	strace $0x9000004A  }
0x99: {  	s0 =	sadd.s32 @!p0 $0x100000, s1;
	[bflag:$0x2] =	sbarrier.arrive $0xFFFF  }
0x9a: {  	[sflag:s0] =	ssyncadd.tile.s32 @!p0 $0x1;
	_ =	shalt  }
.Lfunc_end2:
_tile_overlayer_lowered:
.L_overlay_start_2:
0x9b: {  	(tag) =	ssettag $0x2  }
0x9c: {  	s0 =	rddreg [dreg:$0x0];
	s2 =	stileid.u32  }
0x9d: {  	s1 =	rddreg [dreg:$0x1];
	p0 =	sne.s32 s2, $0x0  }
0x9e: {  	s3 =	rddreg [dreg:$0x2];
	[bflag:$0x3] =	sbarrier.arrive $0xFFFF;
	s2 =	simm.s32 @!p0 $0x1C01  }
0x9f: {  	[timem:s3], [sflag:s2] =	dma.local @!p0 [hbm:s0], s1  }
0xa0: {  	s0 =	simm.s32 @!p0 $0x1  }
0xa1: {  	_ =	swait.ge @!p0 [sflag:s0], s1  }
0xa2: {  	s1 =	ssub.s32 @!p0 $0x0, s1;
	[sflag:s0] =	ssyncset.done @!p0 $0x0  }
0xa3: {  	[sflag:s0] =	ssyncadd.s32 @!p0 s1  }
0xa4: {  	[bflag:$0x3] =	sbarrier.arrive $0xFFFF  }
0xa5: {  	_ =	shalt  }

// kernel: kernel.19.cloned.1.call-start
scs
__scs_entry_jumppad:
0x0: {  	(pc) =	sbr.rel $0x88, $3  }
0x1: {  	(tag) =	ssettag $0x0;
	lr =	simm.s32 $0x1  }
0x2: {  	[smem:$0x3F78] =	sst lr;
	_ =	strace $0xD0000000  }
0x3: {  	_ = 	snop  }
0x4: {  	_ = 	snop  }
0x5: {  	_ = 	snop  }
0x6: {  	_ = 	snop  }
0x7: {  	_ = 	snop  }
__scs_overlays_trampoline_lowered:
0x8: {  	[smem:$0x3F87] =	sst s0  }
0x9: {  	[smem:$0x3F88] =	sst s1  }
0xa: {  	[smem:$0x3F89] =	sst s2  }
0xb: {  	[smem:$0x3F8A] =	sst s3  }
0xc: {  	[smem:$0x3F8B] =	sst s4  }
0xd: {  	[smem:$0x3F8C] =	sst s5  }
0xe: {  	[smem:$0x3F8D] =	sst s6  }
0xf: {  	[smem:$0x3F8E] =	sst s7  }
0x10: {  	[smem:$0x3F8F] =	sst s8  }
0x11: {  	[smem:$0x3F90] =	sst s9;
	s0 =	simm.s32 @!p0 $0x0  }
0x12: {  	s1 =	sld [smem:$0x3F76];
	s0 =	simm.s32 @p0 $0x1  }
0x13: {  	[smem:$0x3F91] =	sst s0;
	s0 =	simm.s32 @!p1 $0x0  }
0x14: {  	s2 =	sld [smem:$0x3F75];
	s0 =	simm.s32 @p1 $0x1  }
0x15: {  	[smem:$0x3F92] =	sst s0;
	s0 =	simm.s32 @!p2 $0x0  }
0x16: {  	s3 =	sld [smem:$0x3FDB];
	s0 =	simm.s32 @p2 $0x1  }
0x17: {  	s4 =	simm.s32 $0x1BF5;
	[smem:$0x3F94] =	sst s0  }
0x18: {  	s0 =	sld [smem:$0x3F77];
	_ =	swait.ge [sflag:s4], $0x0  }
0x19: {  	s7 =	sld [smem:$0x3F78]  }
0x1a: {  	s8 =	sadd.s32 $0xFFFFE003, lr  }
0x1b: {  	s9 =	sadd.s32 $0xFFFFFEF7, lr;
	s5 =	simm.s32 $0xFFFFFFFF;
	p2 =	slt.u32 s8, $0xFFFFF086  }
0x1c: {  	p1 =	slt.u32 s9, $0xF7A;
	s5 =	simm.s32 @!p2 $0x0  }
0x1d: {  	s5 =	simm.s32 @p1 $0x1;
	p0 =	seq.s32 s7, s2  }
0x1e: {  	s7 =	smul.u32 @!p0 $0xF7A, s2;
	p2 =	seq.s32 @!p0 s5, $0x0  }
0x1f: {  	s9 =	smul.u32 $0xF7A, s1;
	s8 =	simm.s32 @!p0 $0x1BF5;
	p2 =	por !p2, p0  }
0x20: {  	[sflag:s8] =	ssyncset.s32 @!p0 $0xFFFFF086;
	s6 =	sadd.s32 @!p0 s3, s7;
	s7 =	simm.s32 @!p0 $0x108  }
0x21: {  	s3 =	sadd.s32 s3, s9;
	s6 =	sadd.s32 @!p0 $0x88, s6;
	s7 =	simm.s32 @p2 $0x1082  }
0x22: {  	[simem:s7], [sflag:s8] =	dma.local @!p0 [hbm:s6], $0xF7A  }
0x23: {  	s9 =	sor.u32 $0xD0000000, s2;
	s6 =	simm.s32 $0x108;
	_ =	swait.ge @!p0 [sflag:s8], $0x0  }
0x24: {  	s3 =	sadd.s32 $0x88, s3;
	s6 =	simm.s32 @!p1 $0x1082;
	[sflag:s4] =	ssyncset.s32 $0xFFFFF086  }
0x25: {  	[simem:s6], [sflag:s4] =	dma.local [hbm:s3], $0xF7A  }
0x26: {  	[smem:$0x3F78] =	sst s1;
	(tag) =	ssettag s2;
	_ =	strace s9  }
0x27: {  	s1 =	sld [smem:$0x3F88]  }
0x28: {  	s2 =	sld [smem:$0x3F89]  }
0x29: {  	s4 =	sld [smem:$0x3F8B]  }
0x2a: {  	p0 =	seq.s32 s5, $0x0;
	s5 =	sld [smem:$0x3F8C]  }
0x2b: {  	s6 =	sld [smem:$0x3F8D]  }
0x2c: {  	s7 =	sld [smem:$0x3F8E]  }
0x2d: {  	s3 =	simm.s32 $0x108;
	s8 =	sld [smem:$0x3F8F]  }
0x2e: {  	s3 =	simm.s32 @!p0 $0x1082;
	s9 =	sld [smem:$0x3F90]  }
0x2f: {  	lr =	sadd.s32 s0, s3;
	s0 =	sld [smem:$0x3F87]  }
0x30: {  	s3 =	sld [smem:$0x3F8A]  }
0x31: {  	[smem:$0x3F93] =	sst s10  }
0x32: {  	s10 =	sld [smem:$0x3F91];
	_ =	sdelay $0x3  }
0x33: {  	p0 =	seq.s32 s10, $0x1;
	s10 =	sld [smem:$0x3F93];
	_ =	sdelay $0x3  }
0x34: {  	[smem:$0x3F93] =	sst s10  }
0x35: {  	s10 =	sld [smem:$0x3F92];
	_ =	sdelay $0x3  }
0x36: {  	p1 =	seq.s32 s10, $0x1;
	s10 =	sld [smem:$0x3F93];
	_ =	sdelay $0x3  }
0x37: {  	[smem:$0x3F93] =	sst s10  }
0x38: {  	s10 =	sld [smem:$0x3F94]  }
0x39: {  	_ = 	snop;
	(pc) =	sbr.ind lr, $3  }
0x3a: {  	_ = 	snop  }
0x3b: {  	_ = 	snop  }
0x3c: {  	p2 =	seq.s32 s10, $0x1;
	s10 =	sld [smem:$0x3F93]  }
0x3d: {  	_ =	shalt  }
0x3e: {  	_ =	shalt  }
0x3f: {  	_ =	shalt  }
0x40: {  	_ =	shalt  }
0x41: {  	_ =	shalt  }
0x42: {  	_ =	shalt  }
0x43: {  	_ =	shalt  }
0x44: {  	_ =	shalt  }
0x45: {  	_ =	shalt  }
0x46: {  	_ =	shalt  }
0x47: {  	_ =	shalt  }
0x48: {  	_ =	shalt  }
0x49: {  	_ =	shalt  }
0x4a: {  	_ =	shalt  }
0x4b: {  	_ =	shalt  }
0x4c: {  	_ =	shalt  }
0x4d: {  	_ =	shalt  }
0x4e: {  	_ =	shalt  }
0x4f: {  	_ =	shalt  }
0x50: {  	_ =	shalt  }
0x51: {  	_ =	shalt  }
0x52: {  	_ =	shalt  }
0x53: {  	_ =	shalt  }
0x54: {  	_ =	shalt  }
0x55: {  	_ =	shalt  }
0x56: {  	_ =	shalt  }
0x57: {  	_ =	shalt  }
0x58: {  	_ =	shalt  }
0x59: {  	_ =	shalt  }
0x5a: {  	_ =	shalt  }
0x5b: {  	_ =	shalt  }
0x5c: {  	_ =	shalt  }
0x5d: {  	_ =	shalt  }
0x5e: {  	_ =	shalt  }
0x5f: {  	_ =	shalt  }
0x60: {  	_ =	shalt  }
0x61: {  	_ =	shalt  }
0x62: {  	_ =	shalt  }
0x63: {  	_ =	shalt  }
0x64: {  	_ =	shalt  }
0x65: {  	_ =	shalt  }
0x66: {  	_ =	shalt  }
0x67: {  	_ =	shalt  }
0x68: {  	_ =	shalt  }
0x69: {  	_ =	shalt  }
0x6a: {  	_ =	shalt  }
0x6b: {  	_ =	shalt  }
0x6c: {  	_ =	shalt  }
0x6d: {  	_ =	shalt  }
0x6e: {  	_ =	shalt  }
0x6f: {  	_ =	shalt  }
0x70: {  	_ =	shalt  }
0x71: {  	_ =	shalt  }
0x72: {  	_ =	shalt  }
0x73: {  	_ =	shalt  }
0x74: {  	_ =	shalt  }
0x75: {  	_ =	shalt  }
0x76: {  	_ =	shalt  }
0x77: {  	_ =	shalt  }
0x78: {  	_ =	shalt  }
0x79: {  	_ =	shalt  }
0x7a: {  	_ =	shalt  }
0x7b: {  	_ =	shalt  }
0x7c: {  	_ =	shalt  }
0x7d: {  	_ =	shalt  }
0x7e: {  	_ =	shalt  }
0x7f: {  	_ =	shalt  }
0x80: {  	_ =	shalt  }
0x81: {  	_ =	shalt  }
0x82: {  	_ =	shalt  }
0x83: {  	_ =	shalt  }
0x84: {  	_ =	shalt  }
0x85: {  	_ =	shalt  }
0x86: {  	_ =	shalt  }
0x87: {  	_ =	shalt  }
.Lfunc_end0:
.L_simem_size_0:
called_computation.2_lowered:
.L_overlay_start_0:
0x88: {  	s2 =	sld [smem:$0x3FD9]  }
0x89: {  	s3 =	sld [smem:$0x3FFE];
	_ =	sdelay $0x1  }
0x8a: {  	s1 =	srdreg.scid  }
0x8b: {  	s0 =	sand.u32 $0x1, s1  }
0x8c: {  	s16 =	sshll.u32 s0, $0xA;
	s2 =	sadd.s32 s3, s2  }
0x8d: {  	s2 =	sadd.s32 s2, s16  }
0x8e: {  	[smem:$0x3F9F] =	sst s2  }
0x8f: {  	_ = 	snop  }
0x90: {  	(tm) =	ssettm $0x1  }
0x91: {  	s17 =	sld [smem:$0x3FFB];
	_ =	sdelay $0x3  }
0x92: {  	_ =	strace s17  }
0x93: {  	s2 =	sld [smem:$0x3FFC];
	_ =	sdelay $0x3  }
0x94: {  	_ =	strace s2  }
0x95: {  	s2 =	sld [smem:$0x3FFD];
	_ =	sdelay $0x3  }
0x96: {  	_ =	strace s2  }
0x97: {  	_ =	strace $0x8FFFFFFF  }
0x98: {  	s18 =	sld [smem:$0x3FDB];
	_ =	sdelay $0x1  }
0x99: {  	s19 =	simm.s32 $_scs_section_size  }
0x9a: {  	s4 =	simm.s32 $_size__tile_overlayer_lowered;
	s5 =	simm.s32 $_tile_overlayer_lowered  }
0x9b: {  	s22 =	simm.s32 $0x1BFF;
	s21 =	sshll.u32 s5, $0x1;
	s2 =	sadd.s32 s19, s18  }
0x9c: {  	s6 =	simm.s32 $0x0;
	s20 =	sshll.u32 s4, $0x1;
	s4 =	sadd.s32 s21, s2  }
0x9d: {  	[timem:s6], [sflag:s22] =	dma.local [hbm:s4], s20  }
0x9e: {  	_ =	swait.ge [sflag:s22], s20  }
0x9f: {  	s3 =	ssub.s32 $0x0, s20;
	[sflag:s22] =	ssyncset.done $0x0  }
0xa0: {  	[sflag:s22] =	ssyncadd.s32 s3;
	_ =	sdelay $0x1  }
0xa1: {  	s23 =	simm.s32 $0x1B8B  }
0xa2: {  	_ =	swait.ge [sflag:s23], $0x1  }
0xa3: {  	[sflag:s23] =	ssyncset.done $0x0  }
0xa4: {  	s25 =	simm.s32 $0x1B8E;
	s24 =	sld [smem:$0x3FFE];
	[sflag:s23] =	ssyncadd.s32 $0xFFFFFFFF  }
0xa5: {  	s26 =	simm.s32 $execute0_lowered;
	[smem:$0x3FD2] =	sst s25  }
0xa6: {  	s4 =	sshll.u32 s26, $0x1;
	_ =	strace $0x8000004C;
	[dreg:$0x1] =	wrdreg $0xFFFFFFFF  }
0xa7: {  	s28 =	simm.s32 $_size_execute0_lowered;
	s2 =	sadd.s32 s2, s4;
	[dreg:$0x0] =	wrdreg $0x0  }
0xa8: {  	s4 =	sshll.u32 s28, $0x1;
	[dreg:$0x2] =	wrdreg s2  }
0xa9: {  	[dreg:$0x3] =	wrdreg s4  }
0xaa: {  	[dreg:$0x4] =	wrdreg $0xC0  }
0xab: {  	_ =	task [dreg:s6], $0x5FFFF  }
0xac: {  	[dreg:$0x1] =	wrdreg $0xFFFFFFFF  }
0xad: {  	[dreg:$0x0] =	wrdreg $0x60  }
0xae: {  	[dreg:$0x2] =	wrdreg s24  }
0xaf: {  	[dreg:$0x3] =	wrdreg $0x9  }
0xb0: {  	_ =	task.clear_ibuf [dreg:s6], $0x4FFFF;
	_ =	strace $0x9000004C  }
0xb1: {  	s29 =	simm.s32 $0x9;
	_ =	strace $0x8000004E  }
0xb2: {  	_ =	swait.ge [sflag:s29], $0x1  }
0xb3: {  	[sflag:s29] =	ssyncadd.s32 $0xFFFFFFFF  }
0xb4: {  	_ =	strace $0x9000004E  }
0xb5: {  	_ =	sfence  }
0xb6: {  	s30 =	sld [smem:$0x0];
	_ =	sdelay $0x2  }
0xb7: {  	s31 =	sshll.u32 s1, $0xD;
	s1 =	sshrl.u32 s1, $0x2  }
0xb8: {  	s3 =	sand.u32 $0x4000, s31;
	s1 =	sadd.s32 s1, s30  }
0xb9: {  	s0 =	sor.u32 s3, s0;
	s1 =	sshll.u32 s1, $0x11  }
0xba: {  	s0 =	sor.u32 s1, s0  }
0xbb: {  	s0 =	sadd.s32 $0x8F2B, s0  }
0xbc: {  	[sflag:s0] =	ssyncadd.remote.s32 $0x1  }
0xbd: {  	_ =	sfence.sel $0xFFFF  }
0xbe: {  	[dreg:$0x0] =	wrdreg $0xFFFFFFFF;
	(pc) =	sbr.abs _section_cstart, $3  }
0xbf: {  	[dreg:$0x1] =	wrdreg $0xFFFFFFFF  }
0xc0: {  	_ =	task.clear_ibuf [dreg:s6], $0x2FFFF;
	_ =	strace $0x9FFFFFFF  }
0xc1: {  	(tm) =	ssettm $0x7FFFFFFF  }
tec
execute0_lowered:
.L_overlay_start_1:
0x0: {  	(tag) =	ssettag $0x1  }
0x1: {  	s1 =	srdreg.scid;
	s0 =	stileid.u32  }
0x2: {  	s16 =	sand.u32 $0x1, s1;
	s26 =	sshll.u32 s0, $0x1  }
0x3: {  	s8 =	sor.u32 s16, s26  }
0x4: {  	s9 =	rddreg [dreg:$0x0];
	s17 =	smul.u32 $0x2710, s8  }
0x5: {  	s2 =	simm.s32 $0x0;
	s1 =	rddreg [dreg:$0x1]  }
0x6: {  	[smem:$0x7FF] =	sst s2;
	s15 =	sadd.s32 $0x34800, s9;
	s3 =	sshrl.u32 s17, $0x3  }
0x7: {  	_ =	strace $0x8000004D;
	s4 =	sadd.s32 s15, s3;
	s3 =	simm.s32 $0x2  }
0x8: {  	[tilespmem:s2], [sflag:$0x2] =	stream.linear.gather [hbm4b:s4+s2], $0x7D0, $0x38;
	[tilespmem:$0x84D0] =	vst v63  }
0x9: {  	_ =	swait.ge [sflag:s3], $0x7D0  }
0xa: {  	s6 =	simm.s32 $0x7D0;
	[sflag:s3] =	ssyncset.done $0x0  }
0xb: {  	s7 =	simm.s32 $0x1;
	s5 =	sadd.s32 $0x8600, s9;
	[sflag:s3] =	ssyncadd.s32 $0xFFFFF830  }
0xc: {  	[tilespmem:s6], [sflag:$0x1] =	stream.indirect.gather [hbm4b:s5+s6], $0x10, s2, s6, $0xb8;
	[tilespmem:$0x84D0] =	vst v63  }
0xd: {  	s8 =	smul.u32 $0x4E20, s8;
	_ =	swait.ge [sflag:s7], $0x7D00  }
0xe: {  	s18 =	sadd.s32 $0x3E600, s9;
	[sflag:s7] =	ssyncset.done $0x0  }
0xf: {  	s8 =	sadd.s32 s18, s8;
	[sflag:s7] =	ssyncadd.s32 $0xFFFF8300  }
0x10: {  	[hbm4b:s8+s2] =	stream.linear.scatter [tilespmem:s6], [sflag:$0x2], $0x7D00, $0x38;
	[tilespmem:$0x84D0] =	vst v63  }
0x11: {  	s10 =	sadd.s32 $0x7D0, s17;
	_ =	swait.ge [sflag:s3], $0x7D00  }
0x12: {  	s28 =	sshrl.u32 s10, $0x3;
	[sflag:s3] =	ssyncset.done $0x0  }
0x13: {  	s9 =	sadd.s32 s15, s28;
	[sflag:s3] =	ssyncadd.s32 $0xFFFF8300  }
0x14: {  	[tilespmem:s2], [sflag:$0x2] =	stream.linear.gather [hbm4b:s9+s2], $0x7D0, $0x38;
	[tilespmem:$0x84D0] =	vst v63  }
0x15: {  	_ =	swait.ge [sflag:s3], $0x7D0  }
0x16: {  	[sflag:s3] =	ssyncset.done $0x0  }
0x17: {  	[sflag:s3] =	ssyncadd.s32 $0xFFFFF830  }
0x18: {  	[tilespmem:s6], [sflag:$0x1] =	stream.indirect.gather [hbm4b:s5+s6], $0x10, s2, s6, $0xb8;
	[tilespmem:$0x84D0] =	vst v63  }
0x19: {  	_ =	swait.ge [sflag:s7], $0x7D00  }
0x1a: {  	s10 =	sshll.u32 s10, $0x1;
	[sflag:s7] =	ssyncset.done $0x0  }
0x1b: {  	s10 =	sadd.s32 s18, s10;
	[sflag:s7] =	ssyncadd.s32 $0xFFFF8300  }
0x1c: {  	[hbm4b:s10+s2] =	stream.linear.scatter [tilespmem:s6], [sflag:$0x2], $0x7D00, $0x38;
	[tilespmem:$0x84D0] =	vst v63  }
0x1d: {  	s12 =	sadd.s32 $0xFA0, s17;
	_ =	swait.ge [sflag:s3], $0x7D00  }
0x1e: {  	s11 =	sshrl.u32 s12, $0x3;
	[sflag:s3] =	ssyncset.done $0x0  }
0x1f: {  	s11 =	sadd.s32 s15, s11;
	[sflag:s3] =	ssyncadd.s32 $0xFFFF8300  }
0x20: {  	[tilespmem:s2], [sflag:$0x2] =	stream.linear.gather [hbm4b:s11+s2], $0x7D0, $0x38;
	[tilespmem:$0x84D0] =	vst v63  }
0x21: {  	_ =	swait.ge [sflag:s3], $0x7D0  }
0x22: {  	[sflag:s3] =	ssyncset.done $0x0  }
0x23: {  	[sflag:s3] =	ssyncadd.s32 $0xFFFFF830  }
0x24: {  	[tilespmem:s6], [sflag:$0x1] =	stream.indirect.gather [hbm4b:s5+s6], $0x10, s2, s6, $0xb8;
	[tilespmem:$0x84D0] =	vst v63  }
0x25: {  	_ =	swait.ge [sflag:s7], $0x7D00  }
0x26: {  	s12 =	sshll.u32 s12, $0x1;
	[sflag:s7] =	ssyncset.done $0x0  }
0x27: {  	s12 =	sadd.s32 s18, s12;
	[sflag:s7] =	ssyncadd.s32 $0xFFFF8300  }
0x28: {  	[hbm4b:s12+s2] =	stream.linear.scatter [tilespmem:s6], [sflag:$0x2], $0x7D00, $0x38;
	[tilespmem:$0x84D0] =	vst v63  }
0x29: {  	s14 =	sadd.s32 $0x1770, s17;
	_ =	swait.ge [sflag:s3], $0x7D00  }
0x2a: {  	s13 =	sshrl.u32 s14, $0x3;
	[sflag:s3] =	ssyncset.done $0x0  }
0x2b: {  	s13 =	sadd.s32 s15, s13;
	[sflag:s3] =	ssyncadd.s32 $0xFFFF8300  }
0x2c: {  	[tilespmem:s2], [sflag:$0x2] =	stream.linear.gather [hbm4b:s13+s2], $0x7D0, $0x38;
	[tilespmem:$0x84D0] =	vst v63  }
0x2d: {  	_ =	swait.ge [sflag:s3], $0x7D0  }
0x2e: {  	[sflag:s3] =	ssyncset.done $0x0  }
0x2f: {  	[sflag:s3] =	ssyncadd.s32 $0xFFFFF830  }
0x30: {  	[tilespmem:s6], [sflag:$0x1] =	stream.indirect.gather [hbm4b:s5+s6], $0x10, s2, s6, $0xb8;
	[tilespmem:$0x84D0] =	vst v63  }
0x31: {  	_ =	swait.ge [sflag:s7], $0x7D00  }
0x32: {  	s14 =	sshll.u32 s14, $0x1;
	[sflag:s7] =	ssyncset.done $0x0  }
0x33: {  	s14 =	sadd.s32 s18, s14;
	[sflag:s7] =	ssyncadd.s32 $0xFFFF8300  }
0x34: {  	[hbm4b:s14+s2] =	stream.linear.scatter [tilespmem:s6], [sflag:$0x2], $0x7D00, $0x38;
	[tilespmem:$0x84D0] =	vst v63  }
0x35: {  	s17 =	sadd.s32 $0x1F40, s17;
	_ =	swait.ge [sflag:s3], $0x7D00  }
0x36: {  	s19 =	sshrl.u32 s17, $0x3;
	[sflag:s3] =	ssyncset.done $0x0  }
0x37: {  	s16 =	ssub.s32 $0x2, s16;
	s15 =	sadd.s32 s15, s19;
	[sflag:s3] =	ssyncadd.s32 $0xFFFF8300  }
0x38: {  	[tilespmem:s2], [sflag:$0x2] =	stream.linear.gather [hbm4b:s15+s2], $0x7D0, $0x38;
	[tilespmem:$0x84D0] =	vst v63  }
0x39: {  	s29 =	sshrl.u32 s16, $0x1;
	_ =	swait.ge [sflag:s3], $0x7D0  }
0x3a: {  	s19 =	ssub.s32 s16, s29;
	[sflag:s3] =	ssyncset.done $0x0  }
0x3b: {  	s31 =	smax.u32 s19, $0x1;
	[sflag:s3] =	ssyncadd.s32 $0xFFFFF830  }
0x3c: {  	[tilespmem:s6], [sflag:$0x1] =	stream.indirect.gather [hbm4b:s5+s6], $0x10, s2, s6, $0xb8;
	[tilespmem:$0x84D0] =	vst v63  }
0x3d: {  	p0 =	sne.s32 s31, $0x1;
	_ =	swait.ge [sflag:s7], $0x7D00  }
.Ltmp0:
0x3e: {  	s30 =	sshll.u32 s17, $0x1;
	[sflag:s7] =	ssyncset.done $0x0;
	(pc) =	sbr.rel @!p0 .LBB2_2-.Ltmp0, $4  }
0x3f: {  	s16 =	sadd.s32 s18, s30;
	[sflag:s7] =	ssyncadd.s32 $0xFFFF8300  }
0x40: {  	[hbm4b:s16+s2] =	stream.linear.scatter [tilespmem:s6], [sflag:$0x2], $0x7D00, $0x38;
	[tilespmem:$0x84D0] =	vst v63  }
0x41: {  	_ =	swait.ge [sflag:s3], $0x7D00  }
0x42: {  	s17 =	sadd.s32 $0xFFFFFFFF, s31;
	[sflag:s3] =	ssyncset.done $0x0  }
.LBB2_1:
0x43: {  	p0 =	sne.s32 s17, $0x1;
	s17 =	sadd.s32 $0xFFFFFFFF, s17;
	[sflag:s3] =	ssyncadd.s32 $0xFFFF8300  }
0x44: {  	[tilespmem:s2], [sflag:$0x2] =	stream.linear.gather [hbm4b:s4+s2], $0x7D0, $0x38;
	[tilespmem:$0x84D0] =	vst v63  }
0x45: {  	_ =	swait.ge [sflag:s3], $0x7D0  }
0x46: {  	[sflag:s3] =	ssyncset.done $0x0  }
0x47: {  	[sflag:s3] =	ssyncadd.s32 $0xFFFFF830  }
0x48: {  	[tilespmem:s6], [sflag:$0x1] =	stream.indirect.gather [hbm4b:s5+s6], $0x10, s2, s6, $0xb8;
	[tilespmem:$0x84D0] =	vst v63  }
0x49: {  	_ =	swait.ge [sflag:s7], $0x7D00  }
0x4a: {  	[sflag:s7] =	ssyncset.done $0x0  }
0x4b: {  	[sflag:s7] =	ssyncadd.s32 $0xFFFF8300  }
0x4c: {  	[hbm4b:s8+s2] =	stream.linear.scatter [tilespmem:s6], [sflag:$0x2], $0x7D00, $0x38;
	[tilespmem:$0x84D0] =	vst v63  }
0x4d: {  	_ =	swait.ge [sflag:s3], $0x7D00  }
0x4e: {  	[sflag:s3] =	ssyncset.done $0x0  }
0x4f: {  	[sflag:s3] =	ssyncadd.s32 $0xFFFF8300  }
0x50: {  	[tilespmem:s2], [sflag:$0x2] =	stream.linear.gather [hbm4b:s9+s2], $0x7D0, $0x38;
	[tilespmem:$0x84D0] =	vst v63  }
0x51: {  	_ =	swait.ge [sflag:s3], $0x7D0  }
0x52: {  	[sflag:s3] =	ssyncset.done $0x0  }
0x53: {  	[sflag:s3] =	ssyncadd.s32 $0xFFFFF830  }
0x54: {  	[tilespmem:s6], [sflag:$0x1] =	stream.indirect.gather [hbm4b:s5+s6], $0x10, s2, s6, $0xb8;
	[tilespmem:$0x84D0] =	vst v63  }
0x55: {  	_ =	swait.ge [sflag:s7], $0x7D00  }
0x56: {  	[sflag:s7] =	ssyncset.done $0x0  }
0x57: {  	[sflag:s7] =	ssyncadd.s32 $0xFFFF8300  }
0x58: {  	[hbm4b:s10+s2] =	stream.linear.scatter [tilespmem:s6], [sflag:$0x2], $0x7D00, $0x38;
	[tilespmem:$0x84D0] =	vst v63  }
0x59: {  	_ =	swait.ge [sflag:s3], $0x7D00  }
0x5a: {  	[sflag:s3] =	ssyncset.done $0x0  }
0x5b: {  	[sflag:s3] =	ssyncadd.s32 $0xFFFF8300  }
0x5c: {  	[tilespmem:s2], [sflag:$0x2] =	stream.linear.gather [hbm4b:s11+s2], $0x7D0, $0x38;
	[tilespmem:$0x84D0] =	vst v63  }
0x5d: {  	_ =	swait.ge [sflag:s3], $0x7D0  }
0x5e: {  	[sflag:s3] =	ssyncset.done $0x0  }
0x5f: {  	[sflag:s3] =	ssyncadd.s32 $0xFFFFF830  }
0x60: {  	[tilespmem:s6], [sflag:$0x1] =	stream.indirect.gather [hbm4b:s5+s6], $0x10, s2, s6, $0xb8;
	[tilespmem:$0x84D0] =	vst v63  }
0x61: {  	_ =	swait.ge [sflag:s7], $0x7D00  }
0x62: {  	[sflag:s7] =	ssyncset.done $0x0  }
0x63: {  	[sflag:s7] =	ssyncadd.s32 $0xFFFF8300  }
0x64: {  	[hbm4b:s12+s2] =	stream.linear.scatter [tilespmem:s6], [sflag:$0x2], $0x7D00, $0x38;
	[tilespmem:$0x84D0] =	vst v63  }
0x65: {  	_ =	swait.ge [sflag:s3], $0x7D00  }
0x66: {  	[sflag:s3] =	ssyncset.done $0x0  }
0x67: {  	[sflag:s3] =	ssyncadd.s32 $0xFFFF8300  }
0x68: {  	[tilespmem:s2], [sflag:$0x2] =	stream.linear.gather [hbm4b:s13+s2], $0x7D0, $0x38;
	[tilespmem:$0x84D0] =	vst v63  }
0x69: {  	_ =	swait.ge [sflag:s3], $0x7D0  }
0x6a: {  	[sflag:s3] =	ssyncset.done $0x0  }
0x6b: {  	[sflag:s3] =	ssyncadd.s32 $0xFFFFF830  }
0x6c: {  	[tilespmem:s6], [sflag:$0x1] =	stream.indirect.gather [hbm4b:s5+s6], $0x10, s2, s6, $0xb8;
	[tilespmem:$0x84D0] =	vst v63  }
0x6d: {  	_ =	swait.ge [sflag:s7], $0x7D00  }
0x6e: {  	[sflag:s7] =	ssyncset.done $0x0  }
0x6f: {  	[sflag:s7] =	ssyncadd.s32 $0xFFFF8300  }
0x70: {  	[hbm4b:s14+s2] =	stream.linear.scatter [tilespmem:s6], [sflag:$0x2], $0x7D00, $0x38;
	[tilespmem:$0x84D0] =	vst v63  }
0x71: {  	_ =	swait.ge [sflag:s3], $0x7D00  }
0x72: {  	[sflag:s3] =	ssyncset.done $0x0  }
0x73: {  	[sflag:s3] =	ssyncadd.s32 $0xFFFF8300  }
0x74: {  	[tilespmem:s2], [sflag:$0x2] =	stream.linear.gather [hbm4b:s15+s2], $0x7D0, $0x38;
	[tilespmem:$0x84D0] =	vst v63  }
0x75: {  	_ =	swait.ge [sflag:s3], $0x7D0  }
0x76: {  	[sflag:s3] =	ssyncset.done $0x0  }
0x77: {  	[sflag:s3] =	ssyncadd.s32 $0xFFFFF830  }
0x78: {  	[tilespmem:s6], [sflag:$0x1] =	stream.indirect.gather [hbm4b:s5+s6], $0x10, s2, s6, $0xb8;
	[tilespmem:$0x84D0] =	vst v63  }
0x79: {  	_ =	swait.ge [sflag:s7], $0x7D00  }
.Ltmp1:
0x7a: {  	[sflag:s7] =	ssyncset.done $0x0;
	(pc) =	sbr.rel @p0 .LBB2_1-.Ltmp1, $4  }
0x7b: {  	[sflag:s7] =	ssyncadd.s32 $0xFFFF8300  }
0x7c: {  	[hbm4b:s16+s2] =	stream.linear.scatter [tilespmem:s6], [sflag:$0x2], $0x7D00, $0x38;
	[tilespmem:$0x84D0] =	vst v63  }
0x7d: {  	_ =	swait.ge [sflag:s3], $0x7D00  }
0x7e: {  	[sflag:s3] =	ssyncset.done $0x0  }
.LBB2_2:
0x7f: {  	[sflag:s3] =	ssyncadd.s32 $0xFFFF8300  }
0x80: {  	_ =	sfence.sel $0x180000  }
0x81: {  	[bflag:$0x0] =	sbarrier.arrive $0xFFFF  }
0x82: {  	p0 =	sne.s32 s0, $0x0;
	_ =	strace $0x9000004D  }
0x83: {  	s0 =	sadd.s32 @!p0 $0x100000, s1;
	[bflag:$0x2] =	sbarrier.arrive $0xFFFF  }
0x84: {  	[sflag:s0] =	ssyncadd.tile.s32 @!p0 $0x1;
	_ =	shalt  }
.Lfunc_end2:
_tile_overlayer_lowered:
.L_overlay_start_2:
0x85: {  	(tag) =	ssettag $0x2  }
0x86: {  	s0 =	rddreg [dreg:$0x0];
	s2 =	stileid.u32  }
0x87: {  	s1 =	rddreg [dreg:$0x1];
	p0 =	sne.s32 s2, $0x0  }
0x88: {  	s3 =	rddreg [dreg:$0x2];
	[bflag:$0x3] =	sbarrier.arrive $0xFFFF;
	s2 =	simm.s32 @!p0 $0x1C02  }
0x89: {  	[timem:s3], [sflag:s2] =	dma.local @!p0 [hbm:s0], s1  }
0x8a: {  	s0 =	simm.s32 @!p0 $0x2  }
0x8b: {  	_ =	swait.ge @!p0 [sflag:s0], s1  }
0x8c: {  	s1 =	ssub.s32 @!p0 $0x0, s1;
	[sflag:s0] =	ssyncset.done @!p0 $0x0  }
0x8d: {  	[sflag:s0] =	ssyncadd.s32 @!p0 s1  }
0x8e: {  	[bflag:$0x3] =	sbarrier.arrive $0xFFFF  }
0x8f: {  	_ =	shalt  }

// kernel: kernel.22.cloned.1.call-start
scs
__scs_entry_jumppad:
0x0: {  	(pc) =	sbr.rel $0x88, $3  }
0x1: {  	(tag) =	ssettag $0x0;
	lr =	simm.s32 $0x1  }
0x2: {  	[smem:$0x3F78] =	sst lr;
	_ =	strace $0xD0000000  }
0x3: {  	_ = 	snop  }
0x4: {  	_ = 	snop  }
0x5: {  	_ = 	snop  }
0x6: {  	_ = 	snop  }
0x7: {  	_ = 	snop  }
__scs_overlays_trampoline_lowered:
0x8: {  	[smem:$0x3F87] =	sst s0  }
0x9: {  	[smem:$0x3F88] =	sst s1  }
0xa: {  	[smem:$0x3F89] =	sst s2  }
0xb: {  	[smem:$0x3F8A] =	sst s3  }
0xc: {  	[smem:$0x3F8B] =	sst s4  }
0xd: {  	[smem:$0x3F8C] =	sst s5  }
0xe: {  	[smem:$0x3F8D] =	sst s6  }
0xf: {  	[smem:$0x3F8E] =	sst s7  }
0x10: {  	[smem:$0x3F8F] =	sst s8  }
0x11: {  	[smem:$0x3F90] =	sst s9;
	s0 =	simm.s32 @!p0 $0x0  }
0x12: {  	s1 =	sld [smem:$0x3F76];
	s0 =	simm.s32 @p0 $0x1  }
0x13: {  	[smem:$0x3F91] =	sst s0;
	s0 =	simm.s32 @!p1 $0x0  }
0x14: {  	s2 =	sld [smem:$0x3F75];
	s0 =	simm.s32 @p1 $0x1  }
0x15: {  	[smem:$0x3F92] =	sst s0;
	s0 =	simm.s32 @!p2 $0x0  }
0x16: {  	s3 =	sld [smem:$0x3FDB];
	s0 =	simm.s32 @p2 $0x1  }
0x17: {  	s4 =	simm.s32 $0x1BF5;
	[smem:$0x3F94] =	sst s0  }
0x18: {  	s0 =	sld [smem:$0x3F77];
	_ =	swait.ge [sflag:s4], $0x0  }
0x19: {  	s7 =	sld [smem:$0x3F78]  }
0x1a: {  	s8 =	sadd.s32 $0xFFFFE003, lr  }
0x1b: {  	s9 =	sadd.s32 $0xFFFFFEF7, lr;
	s5 =	simm.s32 $0xFFFFFFFF;
	p2 =	slt.u32 s8, $0xFFFFF086  }
0x1c: {  	p1 =	slt.u32 s9, $0xF7A;
	s5 =	simm.s32 @!p2 $0x0  }
0x1d: {  	s5 =	simm.s32 @p1 $0x1;
	p0 =	seq.s32 s7, s2  }
0x1e: {  	s7 =	smul.u32 @!p0 $0xF7A, s2;
	p2 =	seq.s32 @!p0 s5, $0x0  }
0x1f: {  	s9 =	smul.u32 $0xF7A, s1;
	s8 =	simm.s32 @!p0 $0x1BF5;
	p2 =	por !p2, p0  }
0x20: {  	[sflag:s8] =	ssyncset.s32 @!p0 $0xFFFFF086;
	s6 =	sadd.s32 @!p0 s3, s7;
	s7 =	simm.s32 @!p0 $0x108  }
0x21: {  	s3 =	sadd.s32 s3, s9;
	s6 =	sadd.s32 @!p0 $0x88, s6;
	s7 =	simm.s32 @p2 $0x1082  }
0x22: {  	[simem:s7], [sflag:s8] =	dma.local @!p0 [hbm:s6], $0xF7A  }
0x23: {  	s9 =	sor.u32 $0xD0000000, s2;
	s6 =	simm.s32 $0x108;
	_ =	swait.ge @!p0 [sflag:s8], $0x0  }
0x24: {  	s3 =	sadd.s32 $0x88, s3;
	s6 =	simm.s32 @!p1 $0x1082;
	[sflag:s4] =	ssyncset.s32 $0xFFFFF086  }
0x25: {  	[simem:s6], [sflag:s4] =	dma.local [hbm:s3], $0xF7A  }
0x26: {  	[smem:$0x3F78] =	sst s1;
	(tag) =	ssettag s2;
	_ =	strace s9  }
0x27: {  	s1 =	sld [smem:$0x3F88]  }
0x28: {  	s2 =	sld [smem:$0x3F89]  }
0x29: {  	s4 =	sld [smem:$0x3F8B]  }
0x2a: {  	p0 =	seq.s32 s5, $0x0;
	s5 =	sld [smem:$0x3F8C]  }
0x2b: {  	s6 =	sld [smem:$0x3F8D]  }
0x2c: {  	s7 =	sld [smem:$0x3F8E]  }
0x2d: {  	s3 =	simm.s32 $0x108;
	s8 =	sld [smem:$0x3F8F]  }
0x2e: {  	s3 =	simm.s32 @!p0 $0x1082;
	s9 =	sld [smem:$0x3F90]  }
0x2f: {  	lr =	sadd.s32 s0, s3;
	s0 =	sld [smem:$0x3F87]  }
0x30: {  	s3 =	sld [smem:$0x3F8A]  }
0x31: {  	[smem:$0x3F93] =	sst s10  }
0x32: {  	s10 =	sld [smem:$0x3F91];
	_ =	sdelay $0x3  }
0x33: {  	p0 =	seq.s32 s10, $0x1;
	s10 =	sld [smem:$0x3F93];
	_ =	sdelay $0x3  }
0x34: {  	[smem:$0x3F93] =	sst s10  }
0x35: {  	s10 =	sld [smem:$0x3F92];
	_ =	sdelay $0x3  }
0x36: {  	p1 =	seq.s32 s10, $0x1;
	s10 =	sld [smem:$0x3F93];
	_ =	sdelay $0x3  }
0x37: {  	[smem:$0x3F93] =	sst s10  }
0x38: {  	s10 =	sld [smem:$0x3F94]  }
0x39: {  	_ = 	snop;
	(pc) =	sbr.ind lr, $3  }
0x3a: {  	_ = 	snop  }
0x3b: {  	_ = 	snop  }
0x3c: {  	p2 =	seq.s32 s10, $0x1;
	s10 =	sld [smem:$0x3F93]  }
0x3d: {  	_ =	shalt  }
0x3e: {  	_ =	shalt  }
0x3f: {  	_ =	shalt  }
0x40: {  	_ =	shalt  }
0x41: {  	_ =	shalt  }
0x42: {  	_ =	shalt  }
0x43: {  	_ =	shalt  }
0x44: {  	_ =	shalt  }
0x45: {  	_ =	shalt  }
0x46: {  	_ =	shalt  }
0x47: {  	_ =	shalt  }
0x48: {  	_ =	shalt  }
0x49: {  	_ =	shalt  }
0x4a: {  	_ =	shalt  }
0x4b: {  	_ =	shalt  }
0x4c: {  	_ =	shalt  }
0x4d: {  	_ =	shalt  }
0x4e: {  	_ =	shalt  }
0x4f: {  	_ =	shalt  }
0x50: {  	_ =	shalt  }
0x51: {  	_ =	shalt  }
0x52: {  	_ =	shalt  }
0x53: {  	_ =	shalt  }
0x54: {  	_ =	shalt  }
0x55: {  	_ =	shalt  }
0x56: {  	_ =	shalt  }
0x57: {  	_ =	shalt  }
0x58: {  	_ =	shalt  }
0x59: {  	_ =	shalt  }
0x5a: {  	_ =	shalt  }
0x5b: {  	_ =	shalt  }
0x5c: {  	_ =	shalt  }
0x5d: {  	_ =	shalt  }
0x5e: {  	_ =	shalt  }
0x5f: {  	_ =	shalt  }
0x60: {  	_ =	shalt  }
0x61: {  	_ =	shalt  }
0x62: {  	_ =	shalt  }
0x63: {  	_ =	shalt  }
0x64: {  	_ =	shalt  }
0x65: {  	_ =	shalt  }
0x66: {  	_ =	shalt  }
0x67: {  	_ =	shalt  }
0x68: {  	_ =	shalt  }
0x69: {  	_ =	shalt  }
0x6a: {  	_ =	shalt  }
0x6b: {  	_ =	shalt  }
0x6c: {  	_ =	shalt  }
0x6d: {  	_ =	shalt  }
0x6e: {  	_ =	shalt  }
0x6f: {  	_ =	shalt  }
0x70: {  	_ =	shalt  }
0x71: {  	_ =	shalt  }
0x72: {  	_ =	shalt  }
0x73: {  	_ =	shalt  }
0x74: {  	_ =	shalt  }
0x75: {  	_ =	shalt  }
0x76: {  	_ =	shalt  }
0x77: {  	_ =	shalt  }
0x78: {  	_ =	shalt  }
0x79: {  	_ =	shalt  }
0x7a: {  	_ =	shalt  }
0x7b: {  	_ =	shalt  }
0x7c: {  	_ =	shalt  }
0x7d: {  	_ =	shalt  }
0x7e: {  	_ =	shalt  }
0x7f: {  	_ =	shalt  }
0x80: {  	_ =	shalt  }
0x81: {  	_ =	shalt  }
0x82: {  	_ =	shalt  }
0x83: {  	_ =	shalt  }
0x84: {  	_ =	shalt  }
0x85: {  	_ =	shalt  }
0x86: {  	_ =	shalt  }
0x87: {  	_ =	shalt  }
.Lfunc_end0:
.L_simem_size_0:
called_computation.3_lowered:
.L_overlay_start_0:
0x88: {  	s2 =	sld [smem:$0x3FD9]  }
0x89: {  	s3 =	sld [smem:$0x3FFE];
	_ =	sdelay $0x1  }
0x8a: {  	s1 =	srdreg.scid  }
0x8b: {  	s0 =	sand.u32 $0x1, s1  }
0x8c: {  	s17 =	sshll.u32 s0, $0xA;
	s2 =	sadd.s32 s3, s2  }
0x8d: {  	s2 =	sadd.s32 s2, s17  }
0x8e: {  	[smem:$0x3F9F] =	sst s2  }
0x8f: {  	_ = 	snop  }
0x90: {  	s2 =	sld [smem:$0x3FD0];
	(tm) =	ssettm $0x1  }
0x91: {  	s18 =	sld [smem:$0x3FFB];
	_ =	sdelay $0x3  }
0x92: {  	_ =	strace s18  }
0x93: {  	s3 =	sld [smem:$0x3FFC];
	_ =	sdelay $0x3  }
0x94: {  	_ =	strace s3  }
0x95: {  	s3 =	sld [smem:$0x3FFD];
	_ =	sdelay $0x3  }
0x96: {  	_ =	strace s3  }
0x97: {  	_ =	strace $0x8FFFFFFF  }
0x98: {  	s19 =	sld [smem:$0x3FDB];
	_ =	sdelay $0x1  }
0x99: {  	s4 =	simm.s32 $_scs_section_size  }
0x9a: {  	s5 =	simm.s32 $_size__tile_overlayer_lowered;
	s6 =	simm.s32 $_tile_overlayer_lowered  }
0x9b: {  	s22 =	simm.s32 $0x1BFF;
	s21 =	sshll.u32 s6, $0x1;
	s3 =	sadd.s32 s4, s19  }
0x9c: {  	s7 =	simm.s32 $0x0;
	s20 =	sshll.u32 s5, $0x1;
	s5 =	sadd.s32 s21, s3  }
0x9d: {  	[timem:s7], [sflag:s22] =	dma.local [hbm:s5], s20  }
0x9e: {  	_ =	swait.ge [sflag:s22], s20  }
0x9f: {  	s4 =	ssub.s32 $0x0, s20;
	[sflag:s22] =	ssyncset.done $0x0  }
0xa0: {  	[sflag:s22] =	ssyncadd.s32 s4;
	_ =	sdelay $0x1  }
0xa1: {  	s23 =	simm.s32 $0x1B8B  }
0xa2: {  	_ =	swait.ge [sflag:s23], $0x1  }
0xa3: {  	[sflag:s23] =	ssyncset.done $0x0  }
0xa4: {  	s25 =	simm.s32 $0x1B8E;
	s24 =	sld [smem:$0x3FFE];
	[sflag:s23] =	ssyncadd.s32 $0xFFFFFFFF  }
0xa5: {  	s26 =	simm.s32 $execute0_lowered;
	[smem:$0x3FD2] =	sst s25  }
0xa6: {  	s5 =	sshll.u32 s26, $0x1;
	_ =	strace $0x8000004F;
	[dreg:$0x1] =	wrdreg $0xFFFFFFFF  }
0xa7: {  	s28 =	simm.s32 $_size_execute0_lowered;
	s3 =	sadd.s32 s3, s5;
	[dreg:$0x0] =	wrdreg $0x0  }
0xa8: {  	s5 =	sshll.u32 s28, $0x1;
	[dreg:$0x2] =	wrdreg s3  }
0xa9: {  	[dreg:$0x3] =	wrdreg s5  }
0xaa: {  	[dreg:$0x4] =	wrdreg $0xC0  }
0xab: {  	_ =	task [dreg:s7], $0x5FFFF  }
0xac: {  	[dreg:$0x1] =	wrdreg $0xFFFFFFFF  }
0xad: {  	[dreg:$0x0] =	wrdreg $0x60  }
0xae: {  	[dreg:$0x2] =	wrdreg s24  }
0xaf: {  	[dreg:$0x3] =	wrdreg s2  }
0xb0: {  	[dreg:$0x4] =	wrdreg $0x84D00  }
0xb1: {  	[dreg:$0x5] =	wrdreg $0x9  }
0xb2: {  	_ =	task.clear_ibuf [dreg:s7], $0x6FFFF;
	_ =	strace $0x9000004F  }
0xb3: {  	s29 =	simm.s32 $0x9;
	_ =	strace $0x80000051  }
0xb4: {  	_ =	swait.ge [sflag:s29], $0x1  }
0xb5: {  	[sflag:s29] =	ssyncadd.s32 $0xFFFFFFFF  }
0xb6: {  	_ =	strace $0x90000051  }
0xb7: {  	_ =	sfence  }
0xb8: {  	s30 =	sld [smem:$0x0];
	_ =	sdelay $0x2  }
0xb9: {  	s31 =	sshll.u32 s1, $0xD;
	s1 =	sshrl.u32 s1, $0x2  }
0xba: {  	s3 =	sand.u32 $0x4000, s31;
	s1 =	sadd.s32 s1, s30  }
0xbb: {  	s0 =	sor.u32 s3, s0;
	s1 =	sshll.u32 s1, $0x11  }
0xbc: {  	s0 =	sor.u32 s1, s0  }
0xbd: {  	s0 =	sadd.s32 $0x8F2B, s0  }
0xbe: {  	[sflag:s0] =	ssyncadd.remote.s32 $0x1  }
0xbf: {  	_ =	sfence.sel $0xFFFF  }
0xc0: {  	[dreg:$0x0] =	wrdreg $0xFFFFFFFF;
	(pc) =	sbr.abs _section_cstart, $3  }
0xc1: {  	[dreg:$0x1] =	wrdreg $0xFFFFFFFF  }
0xc2: {  	_ =	task.clear_ibuf [dreg:s7], $0x2FFFF;
	_ =	strace $0x9FFFFFFF  }
0xc3: {  	(tm) =	ssettm $0x7FFFFFFF  }
tec
execute0_lowered:
.L_overlay_start_1:
0x0: {  	(tag) =	ssettag $0x1  }
0x1: {  	s19 =	rddreg [dreg:$0x0]  }
0x2: {  	s17 =	rddreg [dreg:$0x1]  }
0x3: {  	s0 =	stileid.u32;
	s2 =	rddreg [dreg:$0x2]  }
0x4: {  	s1 =	rddreg [dreg:$0x3];
	s3 =	simm.s32 $0x0;
	s5 =	srdreg.scid  }
0x5: {  	s20 =	smul.u32 $0x2710, s0;
	[smem:$0x7FF] =	sst s3  }
0x6: {  	s21 =	sand.u32 $0x1, s5;
	s28 =	sshll.u32 s0, $0x6;
	s7 =	sshll.u32 s0, $0x1  }
0x7: {  	_ =	strace $0x80000050;
	s5 =	sor.u32 $0x1C01, s28;
	s4 =	sshrl.u32 s20, $0x3  }
0x8: {  	s9 =	sor.u32 s21, s7;
	s6 =	sadd.s32 s20, s2;
	s4 =	sadd.s32 s4, s19  }
0x9: {  	s7 =	sshrl.u32 s6, $0x3;
	s6 =	simm.s32 $0x1;
	s4 =	sadd.s32 $0x2F800, s4  }
0xa: {  	[spmem:s7], [sflag:s5] =	dma.local [hbm:s4], $0x4E2  }
0xb: {  	s22 =	smul.u32 $0x2710, s9;
	_ =	swait.ge [sflag:s6], $0x4E2  }
0xc: {  	[sflag:s6] =	ssyncset.done $0x0  }
0xd: {  	s8 =	sshrl.u32 s22, $0x3;
	[sflag:s6] =	ssyncadd.s32 $0xFFFFFB1E  }
0xe: {  	s8 =	sadd.s32 s17, s8;
	[bflag:$0x0] =	sbarrier.arrive $0xFFFF  }
0xf: {  	[tilespmem:s3], [sflag:$0x1] =	stream.linear.gather [hbm4b:s8+s3], $0x7D0, $0x38;
	[tilespmem:$0xABE0] =	vst v63  }
0x10: {  	s9 =	smul.u32 $0x4E20, s9;
	_ =	swait.ge [sflag:s6], $0x7D0  }
0x11: {  	s18 =	sadd.s32 $0x34800, s19;
	[sflag:s6] =	ssyncset.done $0x0  }
0x12: {  	s10 =	simm.s32 $0x7D0;
	s9 =	sadd.s32 s18, s9;
	[sflag:s6] =	ssyncadd.s32 $0xFFFFF830  }
0x13: {  	[tilespmem:s10], [sflag:$0x1] =	stream.linear.gather [hbm4b:s9+s3], $0x7D00, $0x38;
	[tilespmem:$0xABE0] =	vst v63  }
0x14: {  	_ =	swait.ge [sflag:s6], $0x7D00  }
0x15: {  	[sflag:s6] =	ssyncset.done $0x0  }
0x16: {  	[sflag:s6] =	ssyncadd.s32 $0xFFFF8300  }
0x17: {  	[spmem:s2] =	stream.indirect.scatter.add.f32 [tilespmem:s10], [sflag:$0x1], $0x10, s3, s10, $0xb8;
	[tilespmem:$0xABE0] =	vst v63  }
0x18: {  	s12 =	sadd.s32 $0x7D0, s22;
	_ =	swait.ge [sflag:s6], $0x7D00  }
0x19: {  	s11 =	sshrl.u32 s12, $0x3;
	[sflag:s6] =	ssyncset.done $0x0  }
0x1a: {  	s11 =	sadd.s32 s17, s11;
	[sflag:s6] =	ssyncadd.s32 $0xFFFF8300  }
0x1b: {  	[tilespmem:s3], [sflag:$0x1] =	stream.linear.gather [hbm4b:s11+s3], $0x7D0, $0x38;
	[tilespmem:$0xABE0] =	vst v63  }
0x1c: {  	_ =	swait.ge [sflag:s6], $0x7D0  }
0x1d: {  	s12 =	sshll.u32 s12, $0x1;
	[sflag:s6] =	ssyncset.done $0x0  }
0x1e: {  	s12 =	sadd.s32 s18, s12;
	[sflag:s6] =	ssyncadd.s32 $0xFFFFF830  }
0x1f: {  	[tilespmem:s10], [sflag:$0x1] =	stream.linear.gather [hbm4b:s12+s3], $0x7D00, $0x38;
	[tilespmem:$0xABE0] =	vst v63  }
0x20: {  	_ =	swait.ge [sflag:s6], $0x7D00  }
0x21: {  	[sflag:s6] =	ssyncset.done $0x0  }
0x22: {  	[sflag:s6] =	ssyncadd.s32 $0xFFFF8300  }
0x23: {  	[spmem:s2] =	stream.indirect.scatter.add.f32 [tilespmem:s10], [sflag:$0x1], $0x10, s3, s10, $0xb8;
	[tilespmem:$0xABE0] =	vst v63  }
0x24: {  	s14 =	sadd.s32 $0xFA0, s22;
	_ =	swait.ge [sflag:s6], $0x7D00  }
0x25: {  	s13 =	sshrl.u32 s14, $0x3;
	[sflag:s6] =	ssyncset.done $0x0  }
0x26: {  	s13 =	sadd.s32 s17, s13;
	[sflag:s6] =	ssyncadd.s32 $0xFFFF8300  }
0x27: {  	[tilespmem:s3], [sflag:$0x1] =	stream.linear.gather [hbm4b:s13+s3], $0x7D0, $0x38;
	[tilespmem:$0xABE0] =	vst v63  }
0x28: {  	_ =	swait.ge [sflag:s6], $0x7D0  }
0x29: {  	s14 =	sshll.u32 s14, $0x1;
	[sflag:s6] =	ssyncset.done $0x0  }
0x2a: {  	s14 =	sadd.s32 s18, s14;
	[sflag:s6] =	ssyncadd.s32 $0xFFFFF830  }
0x2b: {  	[tilespmem:s10], [sflag:$0x1] =	stream.linear.gather [hbm4b:s14+s3], $0x7D00, $0x38;
	[tilespmem:$0xABE0] =	vst v63  }
0x2c: {  	_ =	swait.ge [sflag:s6], $0x7D00  }
0x2d: {  	[sflag:s6] =	ssyncset.done $0x0  }
0x2e: {  	[sflag:s6] =	ssyncadd.s32 $0xFFFF8300  }
0x2f: {  	[spmem:s2] =	stream.indirect.scatter.add.f32 [tilespmem:s10], [sflag:$0x1], $0x10, s3, s10, $0xb8;
	[tilespmem:$0xABE0] =	vst v63  }
0x30: {  	s16 =	sadd.s32 $0x1770, s22;
	_ =	swait.ge [sflag:s6], $0x7D00  }
0x31: {  	s15 =	sshrl.u32 s16, $0x3;
	[sflag:s6] =	ssyncset.done $0x0  }
0x32: {  	s15 =	sadd.s32 s17, s15;
	[sflag:s6] =	ssyncadd.s32 $0xFFFF8300  }
0x33: {  	[tilespmem:s3], [sflag:$0x1] =	stream.linear.gather [hbm4b:s15+s3], $0x7D0, $0x38;
	[tilespmem:$0xABE0] =	vst v63  }
0x34: {  	_ =	swait.ge [sflag:s6], $0x7D0  }
0x35: {  	s16 =	sshll.u32 s16, $0x1;
	[sflag:s6] =	ssyncset.done $0x0  }
0x36: {  	s16 =	sadd.s32 s18, s16;
	[sflag:s6] =	ssyncadd.s32 $0xFFFFF830  }
0x37: {  	[tilespmem:s10], [sflag:$0x1] =	stream.linear.gather [hbm4b:s16+s3], $0x7D00, $0x38;
	[tilespmem:$0xABE0] =	vst v63  }
0x38: {  	_ =	swait.ge [sflag:s6], $0x7D00  }
0x39: {  	[sflag:s6] =	ssyncset.done $0x0  }
0x3a: {  	[sflag:s6] =	ssyncadd.s32 $0xFFFF8300  }
0x3b: {  	[spmem:s2] =	stream.indirect.scatter.add.f32 [tilespmem:s10], [sflag:$0x1], $0x10, s3, s10, $0xb8;
	[tilespmem:$0xABE0] =	vst v63  }
0x3c: {  	s22 =	sadd.s32 $0x1F40, s22;
	_ =	swait.ge [sflag:s6], $0x7D00  }
0x3d: {  	s23 =	sshrl.u32 s22, $0x3;
	[sflag:s6] =	ssyncset.done $0x0  }
0x3e: {  	s17 =	sadd.s32 s17, s23;
	[sflag:s6] =	ssyncadd.s32 $0xFFFF8300  }
0x3f: {  	[tilespmem:s3], [sflag:$0x1] =	stream.linear.gather [hbm4b:s17+s3], $0x7D0, $0x38;
	[tilespmem:$0xABE0] =	vst v63  }
0x40: {  	_ =	swait.ge [sflag:s6], $0x7D0  }
0x41: {  	s22 =	sshll.u32 s22, $0x1;
	[sflag:s6] =	ssyncset.done $0x0  }
0x42: {  	s29 =	smul.u32 $0x27100, s21;
	s18 =	sadd.s32 s18, s22;
	[sflag:s6] =	ssyncadd.s32 $0xFFFFF830  }
0x43: {  	[tilespmem:s10], [sflag:$0x1] =	stream.linear.gather [hbm4b:s18+s3], $0x7D00, $0x38;
	[tilespmem:$0xABE0] =	vst v63  }
0x44: {  	s21 =	ssub.s32 $0x2, s21;
	_ =	swait.ge [sflag:s6], $0x7D00  }
0x45: {  	s30 =	sshrl.u32 s21, $0x1;
	s20 =	sadd.s32 s20, s29;
	[sflag:s6] =	ssyncset.done $0x0  }
0x46: {  	s31 =	ssub.s32 s21, s30;
	s20 =	sshrl.u32 s20, $0x3;
	[sflag:s6] =	ssyncadd.s32 $0xFFFF8300  }
0x47: {  	[spmem:s2] =	stream.indirect.scatter.add.f32 [tilespmem:s10], [sflag:$0x1], $0x10, s3, s10, $0xb8;
	[tilespmem:$0xABE0] =	vst v63  }
0x48: {  	s19 =	sadd.s32 s20, s19;
	s20 =	smax.u32 s31, $0x1;
	_ =	swait.ge [sflag:s6], $0x7D00  }
0x49: {  	p0 =	sne.s32 s20, $0x1;
	[sflag:s6] =	ssyncset.done $0x0  }
.Ltmp0:
0x4a: {  	[sflag:s6] =	ssyncadd.s32 $0xFFFF8300;
	(pc) =	sbr.rel @!p0 .LBB2_2-.Ltmp0, $4  }
0x4b: {  	s19 =	sadd.s32 $0x8600, s19;
	[bflag:$0x0] =	sbarrier.arrive $0xFFFF  }
0x4c: {  	[hbm:s19], [sflag:s5] =	dma.local [spmem:s7], $0x4E2  }
0x4d: {  	_ =	swait.ge [sflag:s6], $0x4E2  }
0x4e: {  	s20 =	sadd.s32 $0xFFFFFFFF, s20;
	[sflag:s6] =	ssyncset.done $0x0  }
.LBB2_1:
0x4f: {  	p0 =	sne.s32 s20, $0x1;
	s20 =	sadd.s32 $0xFFFFFFFF, s20;
	[sflag:s6] =	ssyncadd.s32 $0xFFFFFB1E  }
0x50: {  	[spmem:s7], [sflag:s5] =	dma.local [hbm:s4], $0x4E2  }
0x51: {  	_ =	swait.ge [sflag:s6], $0x4E2  }
0x52: {  	[sflag:s6] =	ssyncset.done $0x0  }
0x53: {  	[sflag:s6] =	ssyncadd.s32 $0xFFFFFB1E  }
0x54: {  	[bflag:$0x0] =	sbarrier.arrive $0xFFFF  }
0x55: {  	[tilespmem:s3], [sflag:$0x1] =	stream.linear.gather [hbm4b:s8+s3], $0x7D0, $0x38;
	[tilespmem:$0xABE0] =	vst v63  }
0x56: {  	_ =	swait.ge [sflag:s6], $0x7D0  }
0x57: {  	[sflag:s6] =	ssyncset.done $0x0  }
0x58: {  	[sflag:s6] =	ssyncadd.s32 $0xFFFFF830  }
0x59: {  	[tilespmem:s10], [sflag:$0x1] =	stream.linear.gather [hbm4b:s9+s3], $0x7D00, $0x38;
	[tilespmem:$0xABE0] =	vst v63  }
0x5a: {  	_ =	swait.ge [sflag:s6], $0x7D00  }
0x5b: {  	[sflag:s6] =	ssyncset.done $0x0  }
0x5c: {  	[sflag:s6] =	ssyncadd.s32 $0xFFFF8300  }
0x5d: {  	[spmem:s2] =	stream.indirect.scatter.add.f32 [tilespmem:s10], [sflag:$0x1], $0x10, s3, s10, $0xb8;
	[tilespmem:$0xABE0] =	vst v63  }
0x5e: {  	_ =	swait.ge [sflag:s6], $0x7D00  }
0x5f: {  	[sflag:s6] =	ssyncset.done $0x0  }
0x60: {  	[sflag:s6] =	ssyncadd.s32 $0xFFFF8300  }
0x61: {  	[tilespmem:s3], [sflag:$0x1] =	stream.linear.gather [hbm4b:s11+s3], $0x7D0, $0x38;
	[tilespmem:$0xABE0] =	vst v63  }
0x62: {  	_ =	swait.ge [sflag:s6], $0x7D0  }
0x63: {  	[sflag:s6] =	ssyncset.done $0x0  }
0x64: {  	[sflag:s6] =	ssyncadd.s32 $0xFFFFF830  }
0x65: {  	[tilespmem:s10], [sflag:$0x1] =	stream.linear.gather [hbm4b:s12+s3], $0x7D00, $0x38;
	[tilespmem:$0xABE0] =	vst v63  }
0x66: {  	_ =	swait.ge [sflag:s6], $0x7D00  }
0x67: {  	[sflag:s6] =	ssyncset.done $0x0  }
0x68: {  	[sflag:s6] =	ssyncadd.s32 $0xFFFF8300  }
0x69: {  	[spmem:s2] =	stream.indirect.scatter.add.f32 [tilespmem:s10], [sflag:$0x1], $0x10, s3, s10, $0xb8;
	[tilespmem:$0xABE0] =	vst v63  }
0x6a: {  	_ =	swait.ge [sflag:s6], $0x7D00  }
0x6b: {  	[sflag:s6] =	ssyncset.done $0x0  }
0x6c: {  	[sflag:s6] =	ssyncadd.s32 $0xFFFF8300  }
0x6d: {  	[tilespmem:s3], [sflag:$0x1] =	stream.linear.gather [hbm4b:s13+s3], $0x7D0, $0x38;
	[tilespmem:$0xABE0] =	vst v63  }
0x6e: {  	_ =	swait.ge [sflag:s6], $0x7D0  }
0x6f: {  	[sflag:s6] =	ssyncset.done $0x0  }
0x70: {  	[sflag:s6] =	ssyncadd.s32 $0xFFFFF830  }
0x71: {  	[tilespmem:s10], [sflag:$0x1] =	stream.linear.gather [hbm4b:s14+s3], $0x7D00, $0x38;
	[tilespmem:$0xABE0] =	vst v63  }
0x72: {  	_ =	swait.ge [sflag:s6], $0x7D00  }
0x73: {  	[sflag:s6] =	ssyncset.done $0x0  }
0x74: {  	[sflag:s6] =	ssyncadd.s32 $0xFFFF8300  }
0x75: {  	[spmem:s2] =	stream.indirect.scatter.add.f32 [tilespmem:s10], [sflag:$0x1], $0x10, s3, s10, $0xb8;
	[tilespmem:$0xABE0] =	vst v63  }
0x76: {  	_ =	swait.ge [sflag:s6], $0x7D00  }
0x77: {  	[sflag:s6] =	ssyncset.done $0x0  }
0x78: {  	[sflag:s6] =	ssyncadd.s32 $0xFFFF8300  }
0x79: {  	[tilespmem:s3], [sflag:$0x1] =	stream.linear.gather [hbm4b:s15+s3], $0x7D0, $0x38;
	[tilespmem:$0xABE0] =	vst v63  }
0x7a: {  	_ =	swait.ge [sflag:s6], $0x7D0  }
0x7b: {  	[sflag:s6] =	ssyncset.done $0x0  }
0x7c: {  	[sflag:s6] =	ssyncadd.s32 $0xFFFFF830  }
0x7d: {  	[tilespmem:s10], [sflag:$0x1] =	stream.linear.gather [hbm4b:s16+s3], $0x7D00, $0x38;
	[tilespmem:$0xABE0] =	vst v63  }
0x7e: {  	_ =	swait.ge [sflag:s6], $0x7D00  }
0x7f: {  	[sflag:s6] =	ssyncset.done $0x0  }
0x80: {  	[sflag:s6] =	ssyncadd.s32 $0xFFFF8300  }
0x81: {  	[spmem:s2] =	stream.indirect.scatter.add.f32 [tilespmem:s10], [sflag:$0x1], $0x10, s3, s10, $0xb8;
	[tilespmem:$0xABE0] =	vst v63  }
0x82: {  	_ =	swait.ge [sflag:s6], $0x7D00  }
0x83: {  	[sflag:s6] =	ssyncset.done $0x0  }
0x84: {  	[sflag:s6] =	ssyncadd.s32 $0xFFFF8300  }
0x85: {  	[tilespmem:s3], [sflag:$0x1] =	stream.linear.gather [hbm4b:s17+s3], $0x7D0, $0x38;
	[tilespmem:$0xABE0] =	vst v63  }
0x86: {  	_ =	swait.ge [sflag:s6], $0x7D0  }
0x87: {  	[sflag:s6] =	ssyncset.done $0x0  }
0x88: {  	[sflag:s6] =	ssyncadd.s32 $0xFFFFF830  }
0x89: {  	[tilespmem:s10], [sflag:$0x1] =	stream.linear.gather [hbm4b:s18+s3], $0x7D00, $0x38;
	[tilespmem:$0xABE0] =	vst v63  }
0x8a: {  	_ =	swait.ge [sflag:s6], $0x7D00  }
0x8b: {  	[sflag:s6] =	ssyncset.done $0x0  }
0x8c: {  	[sflag:s6] =	ssyncadd.s32 $0xFFFF8300  }
0x8d: {  	[spmem:s2] =	stream.indirect.scatter.add.f32 [tilespmem:s10], [sflag:$0x1], $0x10, s3, s10, $0xb8;
	[tilespmem:$0xABE0] =	vst v63  }
0x8e: {  	_ =	swait.ge [sflag:s6], $0x7D00  }
0x8f: {  	[sflag:s6] =	ssyncset.done $0x0  }
.Ltmp1:
0x90: {  	[sflag:s6] =	ssyncadd.s32 $0xFFFF8300;
	(pc) =	sbr.rel @p0 .LBB2_1-.Ltmp1, $4  }
0x91: {  	[bflag:$0x0] =	sbarrier.arrive $0xFFFF  }
0x92: {  	[hbm:s19], [sflag:s5] =	dma.local [spmem:s7], $0x4E2  }
0x93: {  	_ =	swait.ge [sflag:s6], $0x4E2  }
0x94: {  	[sflag:s6] =	ssyncset.done $0x0  }
.LBB2_2:
0x95: {  	[sflag:s6] =	ssyncadd.s32 $0xFFFFFB1E  }
0x96: {  	_ =	sfence.sel $0x180000  }
0x97: {  	[bflag:$0x0] =	sbarrier.arrive $0xFFFF  }
0x98: {  	p0 =	sne.s32 s0, $0x0;
	_ =	strace $0x90000050  }
0x99: {  	s0 =	sadd.s32 @!p0 $0x100000, s1;
	[bflag:$0x2] =	sbarrier.arrive $0xFFFF  }
0x9a: {  	[sflag:s0] =	ssyncadd.tile.s32 @!p0 $0x1;
	_ =	shalt  }
.Lfunc_end2:
_tile_overlayer_lowered:
.L_overlay_start_2:
0x9b: {  	(tag) =	ssettag $0x2  }
0x9c: {  	s0 =	rddreg [dreg:$0x0];
	s2 =	stileid.u32  }
0x9d: {  	s1 =	rddreg [dreg:$0x1];
	p0 =	sne.s32 s2, $0x0  }
0x9e: {  	s3 =	rddreg [dreg:$0x2];
	[bflag:$0x3] =	sbarrier.arrive $0xFFFF;
	s2 =	simm.s32 @!p0 $0x1C01  }
0x9f: {  	[timem:s3], [sflag:s2] =	dma.local @!p0 [hbm:s0], s1  }
0xa0: {  	s0 =	simm.s32 @!p0 $0x1  }
0xa1: {  	_ =	swait.ge @!p0 [sflag:s0], s1  }
0xa2: {  	s1 =	ssub.s32 @!p0 $0x0, s1;
	[sflag:s0] =	ssyncset.done @!p0 $0x0  }
0xa3: {  	[sflag:s0] =	ssyncadd.s32 @!p0 s1  }
0xa4: {  	[bflag:$0x3] =	sbarrier.arrive $0xFFFF  }
0xa5: {  	_ =	shalt  }

</sc_bundles>
